<compile_context>
chip_gen: v7x
topology: tpu7x:2x2x1
jax: 0.10.2.dev20260603
libtpu: 0.0.44.dev20260713+nightly
codegen_flags: <defaults>
</compile_context>

<pallas_src>
import jax
import jax.numpy as jnp
from jax import lax
from jax.experimental import pallas as pl
from jax.experimental.pallas import tpu as pltpu
from jax.experimental.pallas import tpu_sc as plsc

N_ASU = 2
GRID = 121
G2 = GRID * GRID
G3 = GRID * G2
ASU_SIZE = 2 * 524288
B = 1048576

NC, NS, L = 2, 16, 16
NW = NC * NS
BPW = B // NW
CH = 4096
NCH = BPW // CH
SEEN_SL = ASU_SIZE // NS


def _sc_body(aid_hbm, h_hbm, k_hbm, l_hbm, miller_hbm, seen_hbm,
             out_hbm, seen0_hbm, seen1_hbm,
             a0, h0, k0, l0, i0, o0, a1, h1, k1, l1, i1, o1,
             ones_v, seen_sp, sem_stage, sem_gather, sem_scatter, sem_wout):
    c = lax.axis_index("c")
    s = lax.axis_index("s")
    wid = c * NS + s
    bufs = ((a0, h0, k0, l0, i0, o0), (a1, h1, k1, l1, i1, o1))

    @pl.loop(0, CH // L)
    def _ones(i):
        ones_v[pl.ds(i * L, L)] = jnp.ones((L,), jnp.int32)

    pltpu.sync_copy(seen_hbm.at[pl.ds(s * SEEN_SL, SEEN_SL)],
                    seen_sp.at[pl.ds(s * SEEN_SL, SEEN_SL)])
    plsc.subcore_barrier()

    def stage_pairs(t, par):
        base = wid * BPW + t * CH
        sl = pl.ds(base, CH)
        av, hv, kv, lv = bufs[par][:4]
        return ((aid_hbm.at[sl], av), (h_hbm.at[sl], hv),
                (k_hbm.at[sl], kv), (l_hbm.at[sl], lv))

    def fire_stage(t, par):
        for src, dst in stage_pairs(t, par):
            pltpu.async_copy(src, dst, sem_stage)

    fire_stage(0, 0)

    @pl.loop(0, NCH // 2)
    def _chunks(tt):
        for par in range(2):
            t = tt * 2 + par
            base = wid * BPW + t * CH
            av, hv, kv, lv, iv, ov = bufs[par]
            ivp, ovp = bufs[1 - par][4], bufs[1 - par][5]

            for src, dst in stage_pairs(t, par):
                pltpu.make_async_copy(src, dst, sem_stage).wait()

            @pl.when(t + 1 < NCH)
            def _():
                fire_stage(t + 1, 1 - par)

            @pl.loop(0, CH // L)
            def _compute(i):
                sl = pl.ds(i * L, L)
                iv[sl] = av[sl] * G3 + hv[sl] * G2 + kv[sl] * GRID + lv[sl]

            @pl.when(t >= 1)
            def _():
                pltpu.make_async_copy(miller_hbm.at[ivp], ovp,
                                      sem_gather).wait()
                pltpu.async_copy(ones_v, seen_sp.at[ovp], sem_scatter,
                                 add=True)
                pltpu.async_copy(ovp, out_hbm.at[pl.ds(base - CH, CH)],
                                 sem_wout)

            @pl.when(t >= 2)
            def _():
                pltpu.make_async_copy(ones_v, seen_sp.at[ov],
                                      sem_scatter).wait()
                pltpu.make_async_copy(ov, out_hbm.at[pl.ds(base, CH)],
                                      sem_wout).wait()

            pltpu.async_copy(miller_hbm.at[iv], ov, sem_gather)

    iv_last, ov_last = bufs[1][4], bufs[1][5]
    base_last = wid * BPW + (NCH - 1) * CH
    pltpu.make_async_copy(miller_hbm.at[iv_last], ov_last, sem_gather).wait()
    pltpu.async_copy(ones_v, seen_sp.at[ov_last], sem_scatter, add=True)
    pltpu.async_copy(ov_last, out_hbm.at[pl.ds(base_last, CH)], sem_wout)
    for par in range(2):
        ov = bufs[par][5]
        pltpu.make_async_copy(ones_v, seen_sp.at[ov], sem_scatter).wait()
        pltpu.make_async_copy(ov, out_hbm.at[pl.ds(wid * BPW, CH)],
                              sem_wout).wait()

    plsc.subcore_barrier()
    sl = pl.ds(s * SEEN_SL, SEEN_SL)

    @pl.when(c == 0)
    def _():
        pltpu.sync_copy(seen_sp.at[sl], seen0_hbm.at[sl])

    @pl.when(c == 1)
    def _():
        pltpu.sync_copy(seen_sp.at[sl], seen1_hbm.at[sl])


def _sc_gather_scatter(aid, h, k, l, miller, seen_i32):
    mesh = plsc.VectorSubcoreMesh(core_axis_name="c", subcore_axis_name="s")
    f = pl.kernel(
        _sc_body,
        out_type=(jax.ShapeDtypeStruct((B,), jnp.int32),
                  jax.ShapeDtypeStruct((ASU_SIZE,), jnp.int32),
                  jax.ShapeDtypeStruct((ASU_SIZE,), jnp.int32)),
        mesh=mesh,
        scratch_types=(
            [pltpu.VMEM((CH,), jnp.int32) for _ in range(12)]
            + [pltpu.VMEM((CH,), jnp.int32),
               pltpu.VMEM_SHARED((ASU_SIZE,), jnp.int32),
               pltpu.SemaphoreType.DMA,
               pltpu.SemaphoreType.DMA,
               pltpu.SemaphoreType.DMA,
               pltpu.SemaphoreType.DMA]),
    )
    return f(aid, h, k, l, miller, seen_i32)


def _combine_body(s0_ref, s1_ref, o_ref):
    o_ref[...] = (s0_ref[...] | s1_ref[...]) != 0


def _combine(seen0, seen1):
    blk = 131072
    spec = pl.BlockSpec((blk,), lambda i: (i,))
    return pl.pallas_call(
        _combine_body,
        grid=(ASU_SIZE // blk,),
        in_specs=[spec, spec],
        out_specs=spec,
        out_shape=jax.ShapeDtypeStruct((ASU_SIZE,), jnp.bool_),
    )(seen0, seen1)


def kernel(asu_id, hkl, miller_id, dHKL, seen):
    del dHKL
    aid = asu_id.reshape(B)
    hklt = jnp.transpose(hkl)
    miller = miller_id.reshape(N_ASU * G3)
    out, seen0, seen1 = _sc_gather_scatter(
        aid, hklt[0], hklt[1], hklt[2], miller, seen.astype(jnp.int32))
    seen_new = _combine(seen0, seen1)
    return out, seen_new

# --- scband reference (transcript-rebuilt; emitter-appended) ---
"""Pipeline reference for scband-reciprocal-asucollection-60284160967026 (READ-ONLY COPY).

The authoritative reference and input builder live on the scoring server;
editing this copy changes nothing except your own understanding.
"""

import jax, jax.numpy as jnp
import numpy as np

N_ASU = 2
HMAX = 60
GRID = 2 * HMAX + 1  # 121
ASU_SIZE = 2 * 524288  # 1048576 total reflections across ASUs
B = 1048576  # number of observed reflections looked up


def setup_inputs(seed: int = 0) -> dict:
    key = jax.random.key(seed)
    k1, k2, k3, k4 = jax.random.split(key, 4)
    # forward args
    asu_id = jax.random.randint(k1, (B, 1), 0, N_ASU, dtype=jnp.int32)
    hkl = jax.random.randint(k2, (B, 3), 0, GRID, dtype=jnp.int32)
    # buffers built in __init__ from the reciprocal ASUs
    # miller_id: voxel grid mapping (asu, h, k, l) -> flat miller index in [0, asu_size)
    miller_id = jax.random.randint(k3, (N_ASU, GRID, GRID, GRID), 0, ASU_SIZE, dtype=jnp.int32)
    # dHKL voxel grid (resolution of each reflection)
    dHKL = jax.random.uniform(k4, (N_ASU, GRID, GRID, GRID), minval=0.8, maxval=50.0, dtype=jnp.float32)
    seen = jnp.zeros((ASU_SIZE,), dtype=jnp.bool_)
    return {"asu_id": asu_id, "hkl": hkl, "miller_id": miller_id, "dHKL": dHKL, "seen": seen}


def reference(asu_id, hkl, miller_id, dHKL, seen):
    # forward: gather miller ids from the voxel grid, scatter-mark them as seen
    h = hkl[..., 0]
    k = hkl[..., 1]
    l = hkl[..., 2]
    aid = jnp.squeeze(asu_id, -1)
    out = miller_id[aid, h, k, l]  # gather: [B]
    seen_new = seen.at[out].set(True)  # scatter-overwrite into [ASU_SIZE] bool buffer
    return out, seen_new

if __name__ == "__main__":
    import jax
    _d = setup_inputs()
    print(jax.jit(kernel)(*tuple(_d.values())))

</pallas_src>

<mosaic_0001>
#map = affine_map<(d0, d1) -> (0)>
module attributes {stable_mosaic.version = 14 : i64} {
  func.func @_sc_body(%arg0: i32, %arg1: i32, %arg2: memref<1048576xi32, #tpu.memory_space<hbm>>, %arg3: memref<1048576xi32, #tpu.memory_space<hbm>>, %arg4: memref<1048576xi32, #tpu.memory_space<hbm>>, %arg5: memref<1048576xi32, #tpu.memory_space<hbm>>, %arg6: memref<3543122xi32, #tpu.memory_space<hbm>>, %arg7: memref<1048576xi32, #tpu.memory_space<hbm>>, %arg8: memref<1048576xi32, #tpu.memory_space<hbm>>, %arg9: memref<1048576xi32, #tpu.memory_space<hbm>>, %arg10: memref<1048576xi32, #tpu.memory_space<hbm>>, %arg11: memref<4096xi32, #tpu.memory_space<vmem>>, %arg12: memref<4096xi32, #tpu.memory_space<vmem>>, %arg13: memref<4096xi32, #tpu.memory_space<vmem>>, %arg14: memref<4096xi32, #tpu.memory_space<vmem>>, %arg15: memref<4096xi32, #tpu.memory_space<vmem>>, %arg16: memref<4096xi32, #tpu.memory_space<vmem>>, %arg17: memref<4096xi32, #tpu.memory_space<vmem>>, %arg18: memref<4096xi32, #tpu.memory_space<vmem>>, %arg19: memref<4096xi32, #tpu.memory_space<vmem>>, %arg20: memref<4096xi32, #tpu.memory_space<vmem>>, %arg21: memref<4096xi32, #tpu.memory_space<vmem>>, %arg22: memref<4096xi32, #tpu.memory_space<vmem>>, %arg23: memref<4096xi32, #tpu.memory_space<vmem>>, %arg24: memref<1048576xi32, #tpu.memory_space<vmem_shared>>, %arg25: memref<!tpu.dma_semaphore, #tpu.memory_space<semaphore_mem>>, %arg26: memref<!tpu.dma_semaphore, #tpu.memory_space<semaphore_mem>>, %arg27: memref<!tpu.dma_semaphore, #tpu.memory_space<semaphore_mem>>, %arg28: memref<!tpu.dma_semaphore, #tpu.memory_space<semaphore_mem>>) attributes {dimension_semantics = [#tpu.dimension_semantics<core_parallel>, #tpu.dimension_semantics<subcore_parallel>], iteration_bounds = array<i64: 2, 16>, scalar_prefetch = 0 : i64, scratch_operands = 18 : i64, tpu.core_type = #tpu.core_type<sc_vector_subcore>, window_params = [{transform_indices = #map}, {transform_indices = #map}, {transform_indices = #map}, {transform_indices = #map}, {transform_indices = #map}, {transform_indices = #map}, {transform_indices = #map}, {transform_indices = #map}, {transform_indices = #map}]} {
    %mul3A = arith.constant 16 : i32
    %mul3A_0 = arith.muli %arg0, %mul3A : i32
    %add3A = arith.addi %mul3A_0, %arg1 : i32
    %scan3A = arith.constant 0 : i32
    %scan3A_1 = arith.constant 256 : i32
    %scan3A_2 = arith.addi %scan3A, %scan3A_1 : i32
    %scan3A_3 = arith.constant 1 : i32
    scf.for %scan3A_56 = %scan3A to %scan3A_2 step %scan3A_3  : i32 {
      %mul3A_57 = arith.constant 1 : i32
      %mul3A_58 = arith.muli %scan3A_56, %mul3A_57 : i32
      %add3A_59 = arith.constant 0 : i32
      %add3A_60 = arith.addi %add3A_59, %mul3A_58 : i32
      %broadcast_in_dim3A = arith.constant 1 : i32
      %broadcast_in_dim3A_61 = vector.broadcast %broadcast_in_dim3A : i32 to vector<16xi32>
      %mul3A_62 = arith.constant 16 : i32
      %mul3A_63 = arith.muli %add3A_60, %mul3A_62 : i32
      %swap3A = arith.index_cast %mul3A_63 : i32 to index
      %swap3A_64 = tpu.vector_load %arg23[%swap3A] {strides = array<i32>} : memref<4096xi32, #tpu.memory_space<vmem>>, vector<16xi32>,
      %swap3A_65 = vector.shape_cast %swap3A_64 : vector<16xi32> to vector<16xi32>
      %swap3A_66 = vector.shape_cast %broadcast_in_dim3A_61 : vector<16xi32> to vector<16xi32>
      tpu.vector_store %arg23[%swap3A], %swap3A_66 {strides = array<i32>} : memref<4096xi32, #tpu.memory_space<vmem>>, vector<16xi32>,
    }
    %scan3A_4 = arith.constant 256 : i32
    %mul3A_5 = arith.constant 65536 : i32
    %mul3A_6 = arith.muli %arg1, %mul3A_5 : i32
    %mul3A_7 = arith.constant 65536 : i32
    %mul3A_8 = arith.muli %arg1, %mul3A_7 : i32
    "tpu.region"() ({
      %run_scoped3A = tpu.sem_alloc : memref<!tpu.dma_semaphore, #tpu.memory_space<semaphore_mem>>
      %dma_start3A_56 = tpu.memref_slice %arg24[%mul3A_8] : memref<1048576xi32, #tpu.memory_space<vmem_shared>> -> memref<65536xi32, #tpu.memory_space<vmem_shared>>
      %dma_start3A_57 = tpu.memref_slice %arg7[%mul3A_6] : memref<1048576xi32, #tpu.memory_space<hbm>> -> memref<65536xi32, #tpu.memory_space<hbm>>
      tpu.enqueue_dma source(%dma_start3A_57 : memref<65536xi32, #tpu.memory_space<hbm>>) target(%dma_start3A_56 : memref<65536xi32, #tpu.memory_space<vmem_shared>>) target_semaphore(%run_scoped3A : memref<!tpu.dma_semaphore, #tpu.memory_space<semaphore_mem>>)
      %dma_wait3A_58 = tpu.memref_slice %arg24[%mul3A_8] : memref<1048576xi32, #tpu.memory_space<vmem_shared>> -> memref<65536xi32, #tpu.memory_space<vmem_shared>>
      %dma_wait3A_59 = tpu.memref_slice %arg7[%mul3A_6] : memref<1048576xi32, #tpu.memory_space<hbm>> -> memref<65536xi32, #tpu.memory_space<hbm>>
      tpu.wait_dma2 semaphore(%run_scoped3A : memref<!tpu.dma_semaphore, #tpu.memory_space<semaphore_mem>>) src(%dma_wait3A_59 : memref<65536xi32, #tpu.memory_space<hbm>>) dst(%dma_wait3A_58 : memref<65536xi32, #tpu.memory_space<vmem_shared>>)
      tpu.yield
    }) : () -> ()
    %barrier3A = arith.constant 0 : index
    tpu.barrier barrier_id(%barrier3A)
    %mul3A_9 = arith.constant 32768 : i32
    %mul3A_10 = arith.muli %add3A, %mul3A_9 : i32
    %add3A_11 = arith.constant 0 : i32
    %add3A_12 = arith.addi %mul3A_10, %add3A_11 : i32
    %dma_start3A = tpu.memref_slice %arg2[%add3A_12] : memref<1048576xi32, #tpu.memory_space<hbm>> -> memref<4096xi32, #tpu.memory_space<hbm>>
    %dma_start3A_13 = tpu.memref_slice %arg2[%add3A_12] : memref<1048576xi32, #tpu.memory_space<hbm>> -> memref<4096xi32, #tpu.memory_space<hbm>>
    tpu.enqueue_dma source(%dma_start3A_13 : memref<4096xi32, #tpu.memory_space<hbm>>) target(%arg11 : memref<4096xi32, #tpu.memory_space<vmem>>) target_semaphore(%arg25 : memref<!tpu.dma_semaphore, #tpu.memory_space<semaphore_mem>>)
    %dma_start3A_14 = tpu.memref_slice %arg3[%add3A_12] : memref<1048576xi32, #tpu.memory_space<hbm>> -> memref<4096xi32, #tpu.memory_space<hbm>>
    %dma_start3A_15 = tpu.memref_slice %arg3[%add3A_12] : memref<1048576xi32, #tpu.memory_space<hbm>> -> memref<4096xi32, #tpu.memory_space<hbm>>
    tpu.enqueue_dma source(%dma_start3A_15 : memref<4096xi32, #tpu.memory_space<hbm>>) target(%arg12 : memref<4096xi32, #tpu.memory_space<vmem>>) target_semaphore(%arg25 : memref<!tpu.dma_semaphore, #tpu.memory_space<semaphore_mem>>)
    %dma_start3A_16 = tpu.memref_slice %arg4[%add3A_12] : memref<1048576xi32, #tpu.memory_space<hbm>> -> memref<4096xi32, #tpu.memory_space<hbm>>
    %dma_start3A_17 = tpu.memref_slice %arg4[%add3A_12] : memref<1048576xi32, #tpu.memory_space<hbm>> -> memref<4096xi32, #tpu.memory_space<hbm>>
    tpu.enqueue_dma source(%dma_start3A_17 : memref<4096xi32, #tpu.memory_space<hbm>>) target(%arg13 : memref<4096xi32, #tpu.memory_space<vmem>>) target_semaphore(%arg25 : memref<!tpu.dma_semaphore, #tpu.memory_space<semaphore_mem>>)
    %dma_start3A_18 = tpu.memref_slice %arg5[%add3A_12] : memref<1048576xi32, #tpu.memory_space<hbm>> -> memref<4096xi32, #tpu.memory_space<hbm>>
    %dma_start3A_19 = tpu.memref_slice %arg5[%add3A_12] : memref<1048576xi32, #tpu.memory_space<hbm>> -> memref<4096xi32, #tpu.memory_space<hbm>>
    tpu.enqueue_dma source(%dma_start3A_19 : memref<4096xi32, #tpu.memory_space<hbm>>) target(%arg14 : memref<4096xi32, #tpu.memory_space<vmem>>) target_semaphore(%arg25 : memref<!tpu.dma_semaphore, #tpu.memory_space<semaphore_mem>>)
    %scan3A_20 = arith.constant 0 : i32
    %scan3A_21 = arith.constant 4 : i32
    %scan3A_22 = arith.addi %scan3A_20, %scan3A_21 : i32
    %scan3A_23 = arith.constant 1 : i32
    scf.for %scan3A_56 = %scan3A_20 to %scan3A_22 step %scan3A_23  : i32 {
      %mul3A_57 = arith.constant 1 : i32
      %mul3A_58 = arith.muli %scan3A_56, %mul3A_57 : i32
      %add3A_59 = arith.constant 0 : i32
      %add3A_60 = arith.addi %add3A_59, %mul3A_58 : i32
      %mul3A_61 = arith.constant 2 : i32
      %mul3A_62 = arith.muli %add3A_60, %mul3A_61 : i32
      %add3A_63 = arith.constant 0 : i32
      %add3A_64 = arith.addi %mul3A_62, %add3A_63 : i32
      %mul3A_65 = arith.constant 32768 : i32
      %mul3A_66 = arith.muli %add3A, %mul3A_65 : i32
      %mul3A_67 = arith.constant 4096 : i32
      %mul3A_68 = arith.muli %add3A_64, %mul3A_67 : i32
      %add3A_69 = arith.addi %mul3A_66, %mul3A_68 : i32
      %mul3A_70 = arith.constant 32768 : i32
      %mul3A_71 = arith.muli %add3A, %mul3A_70 : i32
      %mul3A_72 = arith.constant 4096 : i32
      %mul3A_73 = arith.muli %add3A_64, %mul3A_72 : i32
      %add3A_74 = arith.addi %mul3A_71, %mul3A_73 : i32
      %dma_wait3A_75 = tpu.memref_slice %arg2[%add3A_74] : memref<1048576xi32, #tpu.memory_space<hbm>> -> memref<4096xi32, #tpu.memory_space<hbm>>
      %dma_wait3A_76 = tpu.memref_slice %arg2[%add3A_74] : memref<1048576xi32, #tpu.memory_space<hbm>> -> memref<4096xi32, #tpu.memory_space<hbm>>
      tpu.wait_dma2 semaphore(%arg25 : memref<!tpu.dma_semaphore, #tpu.memory_space<semaphore_mem>>) src(%dma_wait3A_76 : memref<4096xi32, #tpu.memory_space<hbm>>) dst(%arg11 : memref<4096xi32, #tpu.memory_space<vmem>>)
      %dma_wait3A_77 = tpu.memref_slice %arg3[%add3A_74] : memref<1048576xi32, #tpu.memory_space<hbm>> -> memref<4096xi32, #tpu.memory_space<hbm>>
      %dma_wait3A_78 = tpu.memref_slice %arg3[%add3A_74] : memref<1048576xi32, #tpu.memory_space<hbm>> -> memref<4096xi32, #tpu.memory_space<hbm>>
      tpu.wait_dma2 semaphore(%arg25 : memref<!tpu.dma_semaphore, #tpu.memory_space<semaphore_mem>>) src(%dma_wait3A_78 : memref<4096xi32, #tpu.memory_space<hbm>>) dst(%arg12 : memref<4096xi32, #tpu.memory_space<vmem>>)
      %dma_wait3A_79 = tpu.memref_slice %arg4[%add3A_74] : memref<1048576xi32, #tpu.memory_space<hbm>> -> memref<4096xi32, #tpu.memory_space<hbm>>
      %dma_wait3A_80 = tpu.memref_slice %arg4[%add3A_74] : memref<1048576xi32, #tpu.memory_space<hbm>> -> memref<4096xi32, #tpu.memory_space<hbm>>
      tpu.wait_dma2 semaphore(%arg25 : memref<!tpu.dma_semaphore, #tpu.memory_space<semaphore_mem>>) src(%dma_wait3A_80 : memref<4096xi32, #tpu.memory_space<hbm>>) dst(%arg13 : memref<4096xi32, #tpu.memory_space<vmem>>)
      %dma_wait3A_81 = tpu.memref_slice %arg5[%add3A_74] : memref<1048576xi32, #tpu.memory_space<hbm>> -> memref<4096xi32, #tpu.memory_space<hbm>>
      %dma_wait3A_82 = tpu.memref_slice %arg5[%add3A_74] : memref<1048576xi32, #tpu.memory_space<hbm>> -> memref<4096xi32, #tpu.memory_space<hbm>>
      tpu.wait_dma2 semaphore(%arg25 : memref<!tpu.dma_semaphore, #tpu.memory_space<semaphore_mem>>) src(%dma_wait3A_82 : memref<4096xi32, #tpu.memory_space<hbm>>) dst(%arg14 : memref<4096xi32, #tpu.memory_space<vmem>>)
      %add3A_83 = arith.constant 1 : i32
      %add3A_84 = arith.addi %add3A_64, %add3A_83 : i32
      %lt3A = arith.constant 8 : i32
      %lt3A_85 = arith.cmpi slt, %add3A_84, %lt3A : i32
      %convert_element_type3A_86 = arith.extui %lt3A_85 : i1 to i32
      %cond3A_87 = arith.constant 0 : i32
      %cond3A_88 = arith.cmpi ne, %convert_element_type3A_86, %cond3A_87 : i32
      scf.if %cond3A_88 {
        %add3A_151 = arith.constant 1 : i32
        %add3A_152 = arith.addi %add3A_64, %add3A_151 : i32
        %mul3A_153 = arith.constant 32768 : i32
        %mul3A_154 = arith.muli %add3A, %mul3A_153 : i32
        %mul3A_155 = arith.constant 4096 : i32
        %mul3A_156 = arith.muli %add3A_152, %mul3A_155 : i32
        %add3A_157 = arith.addi %mul3A_154, %mul3A_156 : i32
        %dma_start3A_158 = tpu.memref_slice %arg2[%add3A_157] : memref<1048576xi32, #tpu.memory_space<hbm>> -> memref<4096xi32, #tpu.memory_space<hbm>>
        %dma_start3A_159 = tpu.memref_slice %arg2[%add3A_157] : memref<1048576xi32, #tpu.memory_space<hbm>> -> memref<4096xi32, #tpu.memory_space<hbm>>
        tpu.enqueue_dma source(%dma_start3A_159 : memref<4096xi32, #tpu.memory_space<hbm>>) target(%arg17 : memref<4096xi32, #tpu.memory_space<vmem>>) target_semaphore(%arg25 : memref<!tpu.dma_semaphore, #tpu.memory_space<semaphore_mem>>)
        %dma_start3A_160 = tpu.memref_slice %arg3[%add3A_157] : memref<1048576xi32, #tpu.memory_space<hbm>> -> memref<4096xi32, #tpu.memory_space<hbm>>
        %dma_start3A_161 = tpu.memref_slice %arg3[%add3A_157] : memref<1048576xi32, #tpu.memory_space<hbm>> -> memref<4096xi32, #tpu.memory_space<hbm>>
        tpu.enqueue_dma source(%dma_start3A_161 : memref<4096xi32, #tpu.memory_space<hbm>>) target(%arg18 : memref<4096xi32, #tpu.memory_space<vmem>>) target_semaphore(%arg25 : memref<!tpu.dma_semaphore, #tpu.memory_space<semaphore_mem>>)
        %dma_start3A_162 = tpu.memref_slice %arg4[%add3A_157] : memref<1048576xi32, #tpu.memory_space<hbm>> -> memref<4096xi32, #tpu.memory_space<hbm>>
        %dma_start3A_163 = tpu.memref_slice %arg4[%add3A_157] : memref<1048576xi32, #tpu.memory_space<hbm>> -> memref<4096xi32, #tpu.memory_space<hbm>>
        tpu.enqueue_dma source(%dma_start3A_163 : memref<4096xi32, #tpu.memory_space<hbm>>) target(%arg19 : memref<4096xi32, #tpu.memory_space<vmem>>) target_semaphore(%arg25 : memref<!tpu.dma_semaphore, #tpu.memory_space<semaphore_mem>>)
        %dma_start3A_164 = tpu.memref_slice %arg5[%add3A_157] : memref<1048576xi32, #tpu.memory_space<hbm>> -> memref<4096xi32, #tpu.memory_space<hbm>>
        %dma_start3A_165 = tpu.memref_slice %arg5[%add3A_157] : memref<1048576xi32, #tpu.memory_space<hbm>> -> memref<4096xi32, #tpu.memory_space<hbm>>
        tpu.enqueue_dma source(%dma_start3A_165 : memref<4096xi32, #tpu.memory_space<hbm>>) target(%arg20 : memref<4096xi32, #tpu.memory_space<vmem>>) target_semaphore(%arg25 : memref<!tpu.dma_semaphore, #tpu.memory_space<semaphore_mem>>)
      } else {
      }
      %scan3A_89 = arith.constant 0 : i32
      %scan3A_90 = arith.constant 256 : i32
      %scan3A_91 = arith.addi %scan3A_89, %scan3A_90 : i32
      %scan3A_92 = arith.constant 1 : i32
      scf.for %scan3A_151 = %scan3A_89 to %scan3A_91 step %scan3A_92  : i32 {
        %mul3A_152 = arith.constant 1 : i32
        %mul3A_153 = arith.muli %scan3A_151, %mul3A_152 : i32
        %add3A_154 = arith.constant 0 : i32
        %add3A_155 = arith.addi %add3A_154, %mul3A_153 : i32
        %mul3A_156 = arith.constant 16 : i32
        %mul3A_157 = arith.muli %add3A_155, %mul3A_156 : i32
        %get3A = arith.index_cast %mul3A_157 : i32 to index
        %get3A_158 = tpu.vector_load %arg11[%get3A] {strides = array<i32>} : memref<4096xi32, #tpu.memory_space<vmem>>, vector<16xi32>,
        %get3A_159 = vector.shape_cast %get3A_158 : vector<16xi32> to vector<16xi32>
        %mul3A_160 = arith.constant 1771561 : i32
        %mul3A_161 = vector.broadcast %mul3A_160 : i32 to vector<16xi32>
        %mul3A_162 = arith.muli %get3A_159, %mul3A_161 : vector<16xi32>
        %get3A_163 = arith.index_cast %mul3A_157 : i32 to index
        %get3A_164 = tpu.vector_load %arg12[%get3A_163] {strides = array<i32>} : memref<4096xi32, #tpu.memory_space<vmem>>, vector<16xi32>,
        %get3A_165 = vector.shape_cast %get3A_164 : vector<16xi32> to vector<16xi32>
        %mul3A_166 = arith.constant 14641 : i32
        %mul3A_167 = vector.broadcast %mul3A_166 : i32 to vector<16xi32>
        %mul3A_168 = arith.muli %get3A_165, %mul3A_167 : vector<16xi32>
        %add3A_169 = arith.addi %mul3A_162, %mul3A_168 : vector<16xi32>
        %get3A_170 = arith.index_cast %mul3A_157 : i32 to index
        %get3A_171 = tpu.vector_load %arg13[%get3A_170] {strides = array<i32>} : memref<4096xi32, #tpu.memory_space<vmem>>, vector<16xi32>,
        %get3A_172 = vector.shape_cast %get3A_171 : vector<16xi32> to vector<16xi32>
        %mul3A_173 = arith.constant 121 : i32
        %mul3A_174 = vector.broadcast %mul3A_173 : i32 to vector<16xi32>
        %mul3A_175 = arith.muli %get3A_172, %mul3A_174 : vector<16xi32>
        %add3A_176 = arith.addi %add3A_169, %mul3A_175 : vector<16xi32>
        %get3A_177 = arith.index_cast %mul3A_157 : i32 to index
        %get3A_178 = tpu.vector_load %arg14[%get3A_177] {strides = array<i32>} : memref<4096xi32, #tpu.memory_space<vmem>>, vector<16xi32>,
        %get3A_179 = vector.shape_cast %get3A_178 : vector<16xi32> to vector<16xi32>
        %add3A_180 = arith.addi %add3A_176, %get3A_179 : vector<16xi32>
        %swap3A = arith.index_cast %mul3A_157 : i32 to index
        %swap3A_181 = tpu.vector_load %arg15[%swap3A] {strides = array<i32>} : memref<4096xi32, #tpu.memory_space<vmem>>, vector<16xi32>,
        %swap3A_182 = vector.shape_cast %swap3A_181 : vector<16xi32> to vector<16xi32>
        %swap3A_183 = vector.shape_cast %add3A_180 : vector<16xi32> to vector<16xi32>
        tpu.vector_store %arg15[%swap3A], %swap3A_183 {strides = array<i32>} : memref<4096xi32, #tpu.memory_space<vmem>>, vector<16xi32>,
      }
      %scan3A_93 = arith.constant 256 : i32
      %ge3A = arith.constant 1 : i32
      %ge3A_94 = arith.cmpi sge, %add3A_64, %ge3A : i32
      %convert_element_type3A_95 = arith.extui %ge3A_94 : i1 to i32
      %cond3A_96 = arith.constant 0 : i32
      %cond3A_97 = arith.cmpi ne, %convert_element_type3A_95, %cond3A_96 : i32
      scf.if %cond3A_97 {
        %dma_wait3A_151 = arith.constant 0 : i32
        %dma_wait3A_152 = tpu.memref_slice %arg6[%dma_wait3A_151] : memref<3543122xi32, #tpu.memory_space<hbm>> -> memref<3543122xi32, #tpu.memory_space<hbm>>
        tpu.wait_indirect_dma semaphore(%arg26 : memref<!tpu.dma_semaphore, #tpu.memory_space<semaphore_mem>>) src(%dma_wait3A_152 : memref<3543122xi32, #tpu.memory_space<hbm>>) dst(%arg22 : memref<4096xi32, #tpu.memory_space<vmem>>)
        %dma_start3A_153 = arith.constant 0 : i32
        %dma_start3A_154 = tpu.memref_slice %arg24[%dma_start3A_153] : memref<1048576xi32, #tpu.memory_space<vmem_shared>> -> memref<1048576xi32, #tpu.memory_space<vmem_shared>>
        tpu.enqueue_indirect_dma source(%arg23 : memref<4096xi32, #tpu.memory_space<vmem>>) target(%dma_start3A_154 : memref<1048576xi32, #tpu.memory_space<vmem_shared>>) offsets(%arg22 : memref<4096xi32, #tpu.memory_space<vmem>>) semaphore(%arg27 : memref<!tpu.dma_semaphore, #tpu.memory_space<semaphore_mem>>) {add = true}
        %sub3A = arith.constant 4096 : i32
        %sub3A_155 = arith.subi %add3A_69, %sub3A : i32
        %dma_start3A_156 = tpu.memref_slice %arg8[%sub3A_155] : memref<1048576xi32, #tpu.memory_space<hbm>> -> memref<4096xi32, #tpu.memory_space<hbm>>
        %dma_start3A_157 = tpu.memref_slice %arg8[%sub3A_155] : memref<1048576xi32, #tpu.memory_space<hbm>> -> memref<4096xi32, #tpu.memory_space<hbm>>
        tpu.enqueue_dma source(%arg22 : memref<4096xi32, #tpu.memory_space<vmem>>) target(%dma_start3A_157 : memref<4096xi32, #tpu.memory_space<hbm>>) target_semaphore(%arg28 : memref<!tpu.dma_semaphore, #tpu.memory_space<semaphore_mem>>)
      } else {
      }
      %ge3A_98 = arith.constant 2 : i32
      %ge3A_99 = arith.cmpi sge, %add3A_64, %ge3A_98 : i32
      %convert_element_type3A_100 = arith.extui %ge3A_99 : i1 to i32
      %cond3A_101 = arith.constant 0 : i32
      %cond3A_102 = arith.cmpi ne, %convert_element_type3A_100, %cond3A_101 : i32
      scf.if %cond3A_102 {
        %dma_wait3A_151 = arith.constant 0 : i32
        %dma_wait3A_152 = tpu.memref_slice %arg24[%dma_wait3A_151] : memref<1048576xi32, #tpu.memory_space<vmem_shared>> -> memref<1048576xi32, #tpu.memory_space<vmem_shared>>
        tpu.wait_indirect_dma semaphore(%arg27 : memref<!tpu.dma_semaphore, #tpu.memory_space<semaphore_mem>>) src(%arg23 : memref<4096xi32, #tpu.memory_space<vmem>>) dst(%dma_wait3A_152 : memref<1048576xi32, #tpu.memory_space<vmem_shared>>)
        %dma_wait3A_153 = tpu.memref_slice %arg8[%add3A_69] : memref<1048576xi32, #tpu.memory_space<hbm>> -> memref<4096xi32, #tpu.memory_space<hbm>>
        %dma_wait3A_154 = tpu.memref_slice %arg8[%add3A_69] : memref<1048576xi32, #tpu.memory_space<hbm>> -> memref<4096xi32, #tpu.memory_space<hbm>>
        tpu.wait_dma2 semaphore(%arg28 : memref<!tpu.dma_semaphore, #tpu.memory_space<semaphore_mem>>) src(%arg16 : memref<4096xi32, #tpu.memory_space<vmem>>) dst(%dma_wait3A_154 : memref<4096xi32, #tpu.memory_space<hbm>>)
      } else {
      }
      %dma_start3A_103 = arith.constant 0 : i32
      %dma_start3A_104 = tpu.memref_slice %arg6[%dma_start3A_103] : memref<3543122xi32, #tpu.memory_space<hbm>> -> memref<3543122xi32, #tpu.memory_space<hbm>>
      tpu.enqueue_indirect_dma source(%dma_start3A_104 : memref<3543122xi32, #tpu.memory_space<hbm>>) target(%arg16 : memref<4096xi32, #tpu.memory_space<vmem>>) offsets(%arg15 : memref<4096xi32, #tpu.memory_space<vmem>>) semaphore(%arg26 : memref<!tpu.dma_semaphore, #tpu.memory_space<semaphore_mem>>)
      %mul3A_105 = arith.constant 2 : i32
      %mul3A_106 = arith.muli %add3A_60, %mul3A_105 : i32
      %add3A_107 = arith.constant 1 : i32
      %add3A_108 = arith.addi %mul3A_106, %add3A_107 : i32
      %mul3A_109 = arith.constant 32768 : i32
      %mul3A_110 = arith.muli %add3A, %mul3A_109 : i32
      %mul3A_111 = arith.constant 4096 : i32
      %mul3A_112 = arith.muli %add3A_108, %mul3A_111 : i32
      %add3A_113 = arith.addi %mul3A_110, %mul3A_112 : i32
      %mul3A_114 = arith.constant 32768 : i32
      %mul3A_115 = arith.muli %add3A, %mul3A_114 : i32
      %mul3A_116 = arith.constant 4096 : i32
      %mul3A_117 = arith.muli %add3A_108, %mul3A_116 : i32
      %add3A_118 = arith.addi %mul3A_115, %mul3A_117 : i32
      %dma_wait3A_119 = tpu.memref_slice %arg2[%add3A_118] : memref<1048576xi32, #tpu.memory_space<hbm>> -> memref<4096xi32, #tpu.memory_space<hbm>>
      %dma_wait3A_120 = tpu.memref_slice %arg2[%add3A_118] : memref<1048576xi32, #tpu.memory_space<hbm>> -> memref<4096xi32, #tpu.memory_space<hbm>>
      tpu.wait_dma2 semaphore(%arg25 : memref<!tpu.dma_semaphore, #tpu.memory_space<semaphore_mem>>) src(%dma_wait3A_120 : memref<4096xi32, #tpu.memory_space<hbm>>) dst(%arg17 : memref<4096xi32, #tpu.memory_space<vmem>>)
      %dma_wait3A_121 = tpu.memref_slice %arg3[%add3A_118] : memref<1048576xi32, #tpu.memory_space<hbm>> -> memref<4096xi32, #tpu.memory_space<hbm>>
      %dma_wait3A_122 = tpu.memref_slice %arg3[%add3A_118] : memref<1048576xi32, #tpu.memory_space<hbm>> -> memref<4096xi32, #tpu.memory_space<hbm>>
      tpu.wait_dma2 semaphore(%arg25 : memref<!tpu.dma_semaphore, #tpu.memory_space<semaphore_mem>>) src(%dma_wait3A_122 : memref<4096xi32, #tpu.memory_space<hbm>>) dst(%arg18 : memref<4096xi32, #tpu.memory_space<vmem>>)
      %dma_wait3A_123 = tpu.memref_slice %arg4[%add3A_118] : memref<1048576xi32, #tpu.memory_space<hbm>> -> memref<4096xi32, #tpu.memory_space<hbm>>
      %dma_wait3A_124 = tpu.memref_slice %arg4[%add3A_118] : memref<1048576xi32, #tpu.memory_space<hbm>> -> memref<4096xi32, #tpu.memory_space<hbm>>
      tpu.wait_dma2 semaphore(%arg25 : memref<!tpu.dma_semaphore, #tpu.memory_space<semaphore_mem>>) src(%dma_wait3A_124 : memref<4096xi32, #tpu.memory_space<hbm>>) dst(%arg19 : memref<4096xi32, #tpu.memory_space<vmem>>)
      %dma_wait3A_125 = tpu.memref_slice %arg5[%add3A_118] : memref<1048576xi32, #tpu.memory_space<hbm>> -> memref<4096xi32, #tpu.memory_space<hbm>>
      %dma_wait3A_126 = tpu.memref_slice %arg5[%add3A_118] : memref<1048576xi32, #tpu.memory_space<hbm>> -> memref<4096xi32, #tpu.memory_space<hbm>>
      tpu.wait_dma2 semaphore(%arg25 : memref<!tpu.dma_semaphore, #tpu.memory_space<semaphore_mem>>) src(%dma_wait3A_126 : memref<4096xi32, #tpu.memory_space<hbm>>) dst(%arg20 : memref<4096xi32, #tpu.memory_space<vmem>>)
      %add3A_127 = arith.constant 1 : i32
      %add3A_128 = arith.addi %add3A_108, %add3A_127 : i32
      %lt3A_129 = arith.constant 8 : i32
      %lt3A_130 = arith.cmpi slt, %add3A_128, %lt3A_129 : i32
      %convert_element_type3A_131 = arith.extui %lt3A_130 : i1 to i32
      %cond3A_132 = arith.constant 0 : i32
      %cond3A_133 = arith.cmpi ne, %convert_element_type3A_131, %cond3A_132 : i32
      scf.if %cond3A_133 {
        %add3A_151 = arith.constant 1 : i32
        %add3A_152 = arith.addi %add3A_108, %add3A_151 : i32
        %mul3A_153 = arith.constant 32768 : i32
        %mul3A_154 = arith.muli %add3A, %mul3A_153 : i32
        %mul3A_155 = arith.constant 4096 : i32
        %mul3A_156 = arith.muli %add3A_152, %mul3A_155 : i32
        %add3A_157 = arith.addi %mul3A_154, %mul3A_156 : i32
        %dma_start3A_158 = tpu.memref_slice %arg2[%add3A_157] : memref<1048576xi32, #tpu.memory_space<hbm>> -> memref<4096xi32, #tpu.memory_space<hbm>>
        %dma_start3A_159 = tpu.memref_slice %arg2[%add3A_157] : memref<1048576xi32, #tpu.memory_space<hbm>> -> memref<4096xi32, #tpu.memory_space<hbm>>
        tpu.enqueue_dma source(%dma_start3A_159 : memref<4096xi32, #tpu.memory_space<hbm>>) target(%arg11 : memref<4096xi32, #tpu.memory_space<vmem>>) target_semaphore(%arg25 : memref<!tpu.dma_semaphore, #tpu.memory_space<semaphore_mem>>)
        %dma_start3A_160 = tpu.memref_slice %arg3[%add3A_157] : memref<1048576xi32, #tpu.memory_space<hbm>> -> memref<4096xi32, #tpu.memory_space<hbm>>
        %dma_start3A_161 = tpu.memref_slice %arg3[%add3A_157] : memref<1048576xi32, #tpu.memory_space<hbm>> -> memref<4096xi32, #tpu.memory_space<hbm>>
        tpu.enqueue_dma source(%dma_start3A_161 : memref<4096xi32, #tpu.memory_space<hbm>>) target(%arg12 : memref<4096xi32, #tpu.memory_space<vmem>>) target_semaphore(%arg25 : memref<!tpu.dma_semaphore, #tpu.memory_space<semaphore_mem>>)
        %dma_start3A_162 = tpu.memref_slice %arg4[%add3A_157] : memref<1048576xi32, #tpu.memory_space<hbm>> -> memref<4096xi32, #tpu.memory_space<hbm>>
        %dma_start3A_163 = tpu.memref_slice %arg4[%add3A_157] : memref<1048576xi32, #tpu.memory_space<hbm>> -> memref<4096xi32, #tpu.memory_space<hbm>>
        tpu.enqueue_dma source(%dma_start3A_163 : memref<4096xi32, #tpu.memory_space<hbm>>) target(%arg13 : memref<4096xi32, #tpu.memory_space<vmem>>) target_semaphore(%arg25 : memref<!tpu.dma_semaphore, #tpu.memory_space<semaphore_mem>>)
        %dma_start3A_164 = tpu.memref_slice %arg5[%add3A_157] : memref<1048576xi32, #tpu.memory_space<hbm>> -> memref<4096xi32, #tpu.memory_space<hbm>>
        %dma_start3A_165 = tpu.memref_slice %arg5[%add3A_157] : memref<1048576xi32, #tpu.memory_space<hbm>> -> memref<4096xi32, #tpu.memory_space<hbm>>
        tpu.enqueue_dma source(%dma_start3A_165 : memref<4096xi32, #tpu.memory_space<hbm>>) target(%arg14 : memref<4096xi32, #tpu.memory_space<vmem>>) target_semaphore(%arg25 : memref<!tpu.dma_semaphore, #tpu.memory_space<semaphore_mem>>)
      } else {
      }
      %scan3A_134 = arith.constant 0 : i32
      %scan3A_135 = arith.constant 256 : i32
      %scan3A_136 = arith.addi %scan3A_134, %scan3A_135 : i32
      %scan3A_137 = arith.constant 1 : i32
      scf.for %scan3A_151 = %scan3A_134 to %scan3A_136 step %scan3A_137  : i32 {
        %mul3A_152 = arith.constant 1 : i32
        %mul3A_153 = arith.muli %scan3A_151, %mul3A_152 : i32
        %add3A_154 = arith.constant 0 : i32
        %add3A_155 = arith.addi %add3A_154, %mul3A_153 : i32
        %mul3A_156 = arith.constant 16 : i32
        %mul3A_157 = arith.muli %add3A_155, %mul3A_156 : i32
        %get3A = arith.index_cast %mul3A_157 : i32 to index
        %get3A_158 = tpu.vector_load %arg17[%get3A] {strides = array<i32>} : memref<4096xi32, #tpu.memory_space<vmem>>, vector<16xi32>,
        %get3A_159 = vector.shape_cast %get3A_158 : vector<16xi32> to vector<16xi32>
        %mul3A_160 = arith.constant 1771561 : i32
        %mul3A_161 = vector.broadcast %mul3A_160 : i32 to vector<16xi32>
        %mul3A_162 = arith.muli %get3A_159, %mul3A_161 : vector<16xi32>
        %get3A_163 = arith.index_cast %mul3A_157 : i32 to index
        %get3A_164 = tpu.vector_load %arg18[%get3A_163] {strides = array<i32>} : memref<4096xi32, #tpu.memory_space<vmem>>, vector<16xi32>,
        %get3A_165 = vector.shape_cast %get3A_164 : vector<16xi32> to vector<16xi32>
        %mul3A_166 = arith.constant 14641 : i32
        %mul3A_167 = vector.broadcast %mul3A_166 : i32 to vector<16xi32>
        %mul3A_168 = arith.muli %get3A_165, %mul3A_167 : vector<16xi32>
        %add3A_169 = arith.addi %mul3A_162, %mul3A_168 : vector<16xi32>
        %get3A_170 = arith.index_cast %mul3A_157 : i32 to index
        %get3A_171 = tpu.vector_load %arg19[%get3A_170] {strides = array<i32>} : memref<4096xi32, #tpu.memory_space<vmem>>, vector<16xi32>,
        %get3A_172 = vector.shape_cast %get3A_171 : vector<16xi32> to vector<16xi32>
        %mul3A_173 = arith.constant 121 : i32
        %mul3A_174 = vector.broadcast %mul3A_173 : i32 to vector<16xi32>
        %mul3A_175 = arith.muli %get3A_172, %mul3A_174 : vector<16xi32>
        %add3A_176 = arith.addi %add3A_169, %mul3A_175 : vector<16xi32>
        %get3A_177 = arith.index_cast %mul3A_157 : i32 to index
        %get3A_178 = tpu.vector_load %arg20[%get3A_177] {strides = array<i32>} : memref<4096xi32, #tpu.memory_space<vmem>>, vector<16xi32>,
        %get3A_179 = vector.shape_cast %get3A_178 : vector<16xi32> to vector<16xi32>
        %add3A_180 = arith.addi %add3A_176, %get3A_179 : vector<16xi32>
        %swap3A = arith.index_cast %mul3A_157 : i32 to index
        %swap3A_181 = tpu.vector_load %arg21[%swap3A] {strides = array<i32>} : memref<4096xi32, #tpu.memory_space<vmem>>, vector<16xi32>,
        %swap3A_182 = vector.shape_cast %swap3A_181 : vector<16xi32> to vector<16xi32>
        %swap3A_183 = vector.shape_cast %add3A_180 : vector<16xi32> to vector<16xi32>
        tpu.vector_store %arg21[%swap3A], %swap3A_183 {strides = array<i32>} : memref<4096xi32, #tpu.memory_space<vmem>>, vector<16xi32>,
      }
      %scan3A_138 = arith.constant 256 : i32
      %ge3A_139 = arith.constant 1 : i32
      %ge3A_140 = arith.cmpi sge, %add3A_108, %ge3A_139 : i32
      %convert_element_type3A_141 = arith.extui %ge3A_140 : i1 to i32
      %cond3A_142 = arith.constant 0 : i32
      %cond3A_143 = arith.cmpi ne, %convert_element_type3A_141, %cond3A_142 : i32
      scf.if %cond3A_143 {
        %dma_wait3A_151 = arith.constant 0 : i32
        %dma_wait3A_152 = tpu.memref_slice %arg6[%dma_wait3A_151] : memref<3543122xi32, #tpu.memory_space<hbm>> -> memref<3543122xi32, #tpu.memory_space<hbm>>
        tpu.wait_indirect_dma semaphore(%arg26 : memref<!tpu.dma_semaphore, #tpu.memory_space<semaphore_mem>>) src(%dma_wait3A_152 : memref<3543122xi32, #tpu.memory_space<hbm>>) dst(%arg16 : memref<4096xi32, #tpu.memory_space<vmem>>)
        %dma_start3A_153 = arith.constant 0 : i32
        %dma_start3A_154 = tpu.memref_slice %arg24[%dma_start3A_153] : memref<1048576xi32, #tpu.memory_space<vmem_shared>> -> memref<1048576xi32, #tpu.memory_space<vmem_shared>>
        tpu.enqueue_indirect_dma source(%arg23 : memref<4096xi32, #tpu.memory_space<vmem>>) target(%dma_start3A_154 : memref<1048576xi32, #tpu.memory_space<vmem_shared>>) offsets(%arg16 : memref<4096xi32, #tpu.memory_space<vmem>>) semaphore(%arg27 : memref<!tpu.dma_semaphore, #tpu.memory_space<semaphore_mem>>) {add = true}
        %sub3A = arith.constant 4096 : i32
        %sub3A_155 = arith.subi %add3A_113, %sub3A : i32
        %dma_start3A_156 = tpu.memref_slice %arg8[%sub3A_155] : memref<1048576xi32, #tpu.memory_space<hbm>> -> memref<4096xi32, #tpu.memory_space<hbm>>
        %dma_start3A_157 = tpu.memref_slice %arg8[%sub3A_155] : memref<1048576xi32, #tpu.memory_space<hbm>> -> memref<4096xi32, #tpu.memory_space<hbm>>
        tpu.enqueue_dma source(%arg16 : memref<4096xi32, #tpu.memory_space<vmem>>) target(%dma_start3A_157 : memref<4096xi32, #tpu.memory_space<hbm>>) target_semaphore(%arg28 : memref<!tpu.dma_semaphore, #tpu.memory_space<semaphore_mem>>)
      } else {
      }
      %ge3A_144 = arith.constant 2 : i32
      %ge3A_145 = arith.cmpi sge, %add3A_108, %ge3A_144 : i32
      %convert_element_type3A_146 = arith.extui %ge3A_145 : i1 to i32
      %cond3A_147 = arith.constant 0 : i32
      %cond3A_148 = arith.cmpi ne, %convert_element_type3A_146, %cond3A_147 : i32
      scf.if %cond3A_148 {
        %dma_wait3A_151 = arith.constant 0 : i32
        %dma_wait3A_152 = tpu.memref_slice %arg24[%dma_wait3A_151] : memref<1048576xi32, #tpu.memory_space<vmem_shared>> -> memref<1048576xi32, #tpu.memory_space<vmem_shared>>
        tpu.wait_indirect_dma semaphore(%arg27 : memref<!tpu.dma_semaphore, #tpu.memory_space<semaphore_mem>>) src(%arg23 : memref<4096xi32, #tpu.memory_space<vmem>>) dst(%dma_wait3A_152 : memref<1048576xi32, #tpu.memory_space<vmem_shared>>)
        %dma_wait3A_153 = tpu.memref_slice %arg8[%add3A_113] : memref<1048576xi32, #tpu.memory_space<hbm>> -> memref<4096xi32, #tpu.memory_space<hbm>>
        %dma_wait3A_154 = tpu.memref_slice %arg8[%add3A_113] : memref<1048576xi32, #tpu.memory_space<hbm>> -> memref<4096xi32, #tpu.memory_space<hbm>>
        tpu.wait_dma2 semaphore(%arg28 : memref<!tpu.dma_semaphore, #tpu.memory_space<semaphore_mem>>) src(%arg22 : memref<4096xi32, #tpu.memory_space<vmem>>) dst(%dma_wait3A_154 : memref<4096xi32, #tpu.memory_space<hbm>>)
      } else {
      }
      %dma_start3A_149 = arith.constant 0 : i32
      %dma_start3A_150 = tpu.memref_slice %arg6[%dma_start3A_149] : memref<3543122xi32, #tpu.memory_space<hbm>> -> memref<3543122xi32, #tpu.memory_space<hbm>>
      tpu.enqueue_indirect_dma source(%dma_start3A_150 : memref<3543122xi32, #tpu.memory_space<hbm>>) target(%arg22 : memref<4096xi32, #tpu.memory_space<vmem>>) offsets(%arg21 : memref<4096xi32, #tpu.memory_space<vmem>>) semaphore(%arg26 : memref<!tpu.dma_semaphore, #tpu.memory_space<semaphore_mem>>)
    }
    %scan3A_24 = arith.constant 4 : i32
    %mul3A_25 = arith.constant 32768 : i32
    %mul3A_26 = arith.muli %add3A, %mul3A_25 : i32
    %add3A_27 = arith.constant 28672 : i32
    %add3A_28 = arith.addi %mul3A_26, %add3A_27 : i32
    %dma_wait3A = arith.constant 0 : i32
    %dma_wait3A_29 = tpu.memref_slice %arg6[%dma_wait3A] : memref<3543122xi32, #tpu.memory_space<hbm>> -> memref<3543122xi32, #tpu.memory_space<hbm>>
    tpu.wait_indirect_dma semaphore(%arg26 : memref<!tpu.dma_semaphore, #tpu.memory_space<semaphore_mem>>) src(%dma_wait3A_29 : memref<3543122xi32, #tpu.memory_space<hbm>>) dst(%arg22 : memref<4096xi32, #tpu.memory_space<vmem>>)
    %dma_start3A_30 = arith.constant 0 : i32
    %dma_start3A_31 = tpu.memref_slice %arg24[%dma_start3A_30] : memref<1048576xi32, #tpu.memory_space<vmem_shared>> -> memref<1048576xi32, #tpu.memory_space<vmem_shared>>
    tpu.enqueue_indirect_dma source(%arg23 : memref<4096xi32, #tpu.memory_space<vmem>>) target(%dma_start3A_31 : memref<1048576xi32, #tpu.memory_space<vmem_shared>>) offsets(%arg22 : memref<4096xi32, #tpu.memory_space<vmem>>) semaphore(%arg27 : memref<!tpu.dma_semaphore, #tpu.memory_space<semaphore_mem>>) {add = true}
    %dma_start3A_32 = tpu.memref_slice %arg8[%add3A_28] : memref<1048576xi32, #tpu.memory_space<hbm>> -> memref<4096xi32, #tpu.memory_space<hbm>>
    %dma_start3A_33 = tpu.memref_slice %arg8[%add3A_28] : memref<1048576xi32, #tpu.memory_space<hbm>> -> memref<4096xi32, #tpu.memory_space<hbm>>
    tpu.enqueue_dma source(%arg22 : memref<4096xi32, #tpu.memory_space<vmem>>) target(%dma_start3A_33 : memref<4096xi32, #tpu.memory_space<hbm>>) target_semaphore(%arg28 : memref<!tpu.dma_semaphore, #tpu.memory_space<semaphore_mem>>)
    %dma_wait3A_34 = arith.constant 0 : i32
    %dma_wait3A_35 = tpu.memref_slice %arg24[%dma_wait3A_34] : memref<1048576xi32, #tpu.memory_space<vmem_shared>> -> memref<1048576xi32, #tpu.memory_space<vmem_shared>>
    tpu.wait_indirect_dma semaphore(%arg27 : memref<!tpu.dma_semaphore, #tpu.memory_space<semaphore_mem>>) src(%arg23 : memref<4096xi32, #tpu.memory_space<vmem>>) dst(%dma_wait3A_35 : memref<1048576xi32, #tpu.memory_space<vmem_shared>>)
    %mul3A_36 = arith.constant 32768 : i32
    %mul3A_37 = arith.muli %add3A, %mul3A_36 : i32
    %dma_wait3A_38 = tpu.memref_slice %arg8[%mul3A_37] : memref<1048576xi32, #tpu.memory_space<hbm>> -> memref<4096xi32, #tpu.memory_space<hbm>>
    %dma_wait3A_39 = tpu.memref_slice %arg8[%mul3A_37] : memref<1048576xi32, #tpu.memory_space<hbm>> -> memref<4096xi32, #tpu.memory_space<hbm>>
    tpu.wait_dma2 semaphore(%arg28 : memref<!tpu.dma_semaphore, #tpu.memory_space<semaphore_mem>>) src(%arg16 : memref<4096xi32, #tpu.memory_space<vmem>>) dst(%dma_wait3A_39 : memref<4096xi32, #tpu.memory_space<hbm>>)
    %dma_wait3A_40 = arith.constant 0 : i32
    %dma_wait3A_41 = tpu.memref_slice %arg24[%dma_wait3A_40] : memref<1048576xi32, #tpu.memory_space<vmem_shared>> -> memref<1048576xi32, #tpu.memory_space<vmem_shared>>
    tpu.wait_indirect_dma semaphore(%arg27 : memref<!tpu.dma_semaphore, #tpu.memory_space<semaphore_mem>>) src(%arg23 : memref<4096xi32, #tpu.memory_space<vmem>>) dst(%dma_wait3A_41 : memref<1048576xi32, #tpu.memory_space<vmem_shared>>)
    %mul3A_42 = arith.constant 32768 : i32
    %mul3A_43 = arith.muli %add3A, %mul3A_42 : i32
    %dma_wait3A_44 = tpu.memref_slice %arg8[%mul3A_43] : memref<1048576xi32, #tpu.memory_space<hbm>> -> memref<4096xi32, #tpu.memory_space<hbm>>
    %dma_wait3A_45 = tpu.memref_slice %arg8[%mul3A_43] : memref<1048576xi32, #tpu.memory_space<hbm>> -> memref<4096xi32, #tpu.memory_space<hbm>>
    tpu.wait_dma2 semaphore(%arg28 : memref<!tpu.dma_semaphore, #tpu.memory_space<semaphore_mem>>) src(%arg22 : memref<4096xi32, #tpu.memory_space<vmem>>) dst(%dma_wait3A_45 : memref<4096xi32, #tpu.memory_space<hbm>>)
    %barrier3A_46 = arith.constant 0 : index
    tpu.barrier barrier_id(%barrier3A_46)
    %mul3A_47 = arith.constant 65536 : i32
    %mul3A_48 = arith.muli %arg1, %mul3A_47 : i32
    %eq3A = arith.constant 0 : i32
    %eq3A_49 = arith.cmpi eq, %arg0, %eq3A : i32
    %convert_element_type3A = arith.extui %eq3A_49 : i1 to i32
    %cond3A = arith.constant 0 : i32
    %cond3A_50 = arith.cmpi ne, %convert_element_type3A, %cond3A : i32
    scf.if %cond3A_50 {
      "tpu.region"() ({
        %run_scoped3A = tpu.sem_alloc : memref<!tpu.dma_semaphore, #tpu.memory_space<semaphore_mem>>
        %dma_start3A_56 = tpu.memref_slice %arg9[%mul3A_48] : memref<1048576xi32, #tpu.memory_space<hbm>> -> memref<65536xi32, #tpu.memory_space<hbm>>
        %dma_start3A_57 = tpu.memref_slice %arg24[%mul3A_48] : memref<1048576xi32, #tpu.memory_space<vmem_shared>> -> memref<65536xi32, #tpu.memory_space<vmem_shared>>
        tpu.enqueue_dma source(%dma_start3A_57 : memref<65536xi32, #tpu.memory_space<vmem_shared>>) target(%dma_start3A_56 : memref<65536xi32, #tpu.memory_space<hbm>>) target_semaphore(%run_scoped3A : memref<!tpu.dma_semaphore, #tpu.memory_space<semaphore_mem>>)
        %dma_wait3A_58 = tpu.memref_slice %arg9[%mul3A_48] : memref<1048576xi32, #tpu.memory_space<hbm>> -> memref<65536xi32, #tpu.memory_space<hbm>>
        %dma_wait3A_59 = tpu.memref_slice %arg24[%mul3A_48] : memref<1048576xi32, #tpu.memory_space<vmem_shared>> -> memref<65536xi32, #tpu.memory_space<vmem_shared>>
        tpu.wait_dma2 semaphore(%run_scoped3A : memref<!tpu.dma_semaphore, #tpu.memory_space<semaphore_mem>>) src(%dma_wait3A_59 : memref<65536xi32, #tpu.memory_space<vmem_shared>>) dst(%dma_wait3A_58 : memref<65536xi32, #tpu.memory_space<hbm>>)
        tpu.yield
      }) : () -> ()
    } else {
    }
    %eq3A_51 = arith.constant 1 : i32
    %eq3A_52 = arith.cmpi eq, %arg0, %eq3A_51 : i32
    %convert_element_type3A_53 = arith.extui %eq3A_52 : i1 to i32
    %cond3A_54 = arith.constant 0 : i32
    %cond3A_55 = arith.cmpi ne, %convert_element_type3A_53, %cond3A_54 : i32
    scf.if %cond3A_55 {
      "tpu.region"() ({
        %run_scoped3A = tpu.sem_alloc : memref<!tpu.dma_semaphore, #tpu.memory_space<semaphore_mem>>
        %dma_start3A_56 = tpu.memref_slice %arg10[%mul3A_48] : memref<1048576xi32, #tpu.memory_space<hbm>> -> memref<65536xi32, #tpu.memory_space<hbm>>
        %dma_start3A_57 = tpu.memref_slice %arg24[%mul3A_48] : memref<1048576xi32, #tpu.memory_space<vmem_shared>> -> memref<65536xi32, #tpu.memory_space<vmem_shared>>
        tpu.enqueue_dma source(%dma_start3A_57 : memref<65536xi32, #tpu.memory_space<vmem_shared>>) target(%dma_start3A_56 : memref<65536xi32, #tpu.memory_space<hbm>>) target_semaphore(%run_scoped3A : memref<!tpu.dma_semaphore, #tpu.memory_space<semaphore_mem>>)
        %dma_wait3A_58 = tpu.memref_slice %arg10[%mul3A_48] : memref<1048576xi32, #tpu.memory_space<hbm>> -> memref<65536xi32, #tpu.memory_space<hbm>>
        %dma_wait3A_59 = tpu.memref_slice %arg24[%mul3A_48] : memref<1048576xi32, #tpu.memory_space<vmem_shared>> -> memref<65536xi32, #tpu.memory_space<vmem_shared>>
        tpu.wait_dma2 semaphore(%run_scoped3A : memref<!tpu.dma_semaphore, #tpu.memory_space<semaphore_mem>>) src(%dma_wait3A_59 : memref<65536xi32, #tpu.memory_space<vmem_shared>>) dst(%dma_wait3A_58 : memref<65536xi32, #tpu.memory_space<hbm>>)
        tpu.yield
      }) : () -> ()
    } else {
    }
    return
  }
}

module attributes {stable_mosaic.version = 14 : i64} {
  func.func @_combine_body(%arg0: i32, %arg1: memref<131072xi32, #tpu.memory_space<vmem>>, %arg2: memref<131072xi32, #tpu.memory_space<vmem>>, %arg3: memref<131072xi32, #tpu.memory_space<vmem>>) attributes {dimension_semantics = [#tpu.dimension_semantics<arbitrary>], iteration_bounds = array<i64: 8>, scalar_prefetch = 0 : i64, scratch_operands = 0 : i64, tpu.core_type = #tpu.core_type<tc>, window_params = [{transform_indices = @transform_0, window_bounds = array<i64: 131072>}, {transform_indices = @transform_1, window_bounds = array<i64: 131072>}, {transform_indices = @transform_2, window_bounds = array<i64: 131072>}]} {
    %get3A = arith.constant 0 : index
    %get3A_0 = vector.load %arg1[%get3A] : memref<131072xi32, #tpu.memory_space<vmem>>, vector<131072xi32>
    %get3A_1 = arith.constant 0 : index
    %get3A_2 = vector.load %arg2[%get3A_1] : memref<131072xi32, #tpu.memory_space<vmem>>, vector<131072xi32>
    %or3A = arith.ori %get3A_0, %get3A_2 : vector<131072xi32>
    %ne3A = arith.constant 0 : i32
    %ne3A_3 = vector.broadcast %ne3A : i32 to vector<131072xi32>
    %ne3A_4 = arith.cmpi ne, %or3A, %ne3A_3 : vector<131072xi32>
    %swap3A = arith.constant 0 : index
    %swap3A_5 = vector.load %arg3[%swap3A] : memref<131072xi32, #tpu.memory_space<vmem>>, vector<131072xi32>
    %swap3A_6 = arith.extui %ne3A_4 : vector<131072xi1> to vector<131072xi32>
    %swap3A_7 = arith.constant dense<0> : vector<131072xi32>
    %swap3A_8 = arith.cmpi ne, %swap3A_5, %swap3A_7 : vector<131072xi32>
    tpu.vector_store %arg3[%swap3A], %swap3A_6 {strides = array<i32>} : memref<131072xi32, #tpu.memory_space<vmem>>, vector<131072xi32>,
    return
  }
  func.func @transform_0(%arg0: i32) -> i32 {
    %c0_i32 = arith.constant 0 : i32
    return %arg0 : i32
  }
  func.func @transform_1(%arg0: i32) -> i32 {
    %c0_i32 = arith.constant 0 : i32
    return %arg0 : i32
  }
  func.func @transform_2(%arg0: i32) -> i32 {
    %c0_i32 = arith.constant 0 : i32
    return %arg0 : i32
  }
}

</mosaic_0001>

<sc_bundles>
// kernel: kernel.4.cloned.1.call-start
scs
__scs_entry_jumppad:
0x0: {  	(pc) =	sbr.rel $0x88, $3  }
0x1: {  	(tag) =	ssettag $0x0;
	lr =	simm.s32 $0x1  }
0x2: {  	[smem:$0x3F9D] =	sst lr;
	_ =	strace $0xD0000000  }
0x3: {  	_ = 	snop  }
0x4: {  	_ = 	snop  }
0x5: {  	_ = 	snop  }
0x6: {  	_ = 	snop  }
0x7: {  	_ = 	snop  }
__scs_overlays_trampoline_lowered:
0x8: {  	[smem:$0x3FAC] =	sst s0  }
0x9: {  	[smem:$0x3FAD] =	sst s1  }
0xa: {  	[smem:$0x3FAE] =	sst s2  }
0xb: {  	[smem:$0x3FAF] =	sst s3  }
0xc: {  	[smem:$0x3FB0] =	sst s4  }
0xd: {  	[smem:$0x3FB1] =	sst s5  }
0xe: {  	[smem:$0x3FB2] =	sst s6  }
0xf: {  	[smem:$0x3FB3] =	sst s7  }
0x10: {  	[smem:$0x3FB4] =	sst s8  }
0x11: {  	[smem:$0x3FB5] =	sst s9;
	s0 =	simm.s32 @!p0 $0x0  }
0x12: {  	s1 =	sld [smem:$0x3F9B];
	s0 =	simm.s32 @p0 $0x1  }
0x13: {  	[smem:$0x3FB6] =	sst s0;
	s0 =	simm.s32 @!p1 $0x0  }
0x14: {  	s2 =	sld [smem:$0x3F9A];
	s0 =	simm.s32 @p1 $0x1  }
0x15: {  	[smem:$0x3FB7] =	sst s0;
	s0 =	simm.s32 @!p2 $0x0  }
0x16: {  	s3 =	sld [smem:$0x3FDB];
	s0 =	simm.s32 @p2 $0x1  }
0x17: {  	s4 =	simm.s32 $0x1BF5;
	[smem:$0x3FB9] =	sst s0  }
0x18: {  	s0 =	sld [smem:$0x3F9C];
	_ =	swait.ge [sflag:s4], $0x0  }
0x19: {  	s7 =	sld [smem:$0x3F9D]  }
0x1a: {  	s8 =	sadd.s32 $0xFFFFE003, lr  }
0x1b: {  	s9 =	sadd.s32 $0xFFFFFEF7, lr;
	s5 =	simm.s32 $0xFFFFFFFF;
	p2 =	slt.u32 s8, $0xFFFFF086  }
0x1c: {  	p1 =	slt.u32 s9, $0xF7A;
	s5 =	simm.s32 @!p2 $0x0  }
0x1d: {  	s5 =	simm.s32 @p1 $0x1;
	p0 =	seq.s32 s7, s2  }
0x1e: {  	s7 =	smul.u32 @!p0 $0xF7A, s2;
	p2 =	seq.s32 @!p0 s5, $0x0  }
0x1f: {  	s9 =	smul.u32 $0xF7A, s1;
	s8 =	simm.s32 @!p0 $0x1BF5;
	p2 =	por !p2, p0  }
0x20: {  	[sflag:s8] =	ssyncset.s32 @!p0 $0xFFFFF086;
	s6 =	sadd.s32 @!p0 s3, s7;
	s7 =	simm.s32 @!p0 $0x108  }
0x21: {  	s3 =	sadd.s32 s3, s9;
	s6 =	sadd.s32 @!p0 $0x88, s6;
	s7 =	simm.s32 @p2 $0x1082  }
0x22: {  	[simem:s7], [sflag:s8] =	dma.local @!p0 [hbm:s6], $0xF7A  }
0x23: {  	s9 =	sor.u32 $0xD0000000, s2;
	s6 =	simm.s32 $0x108;
	_ =	swait.ge @!p0 [sflag:s8], $0x0  }
0x24: {  	s3 =	sadd.s32 $0x88, s3;
	s6 =	simm.s32 @!p1 $0x1082;
	[sflag:s4] =	ssyncset.s32 $0xFFFFF086  }
0x25: {  	[simem:s6], [sflag:s4] =	dma.local [hbm:s3], $0xF7A  }
0x26: {  	[smem:$0x3F9D] =	sst s1;
	(tag) =	ssettag s2;
	_ =	strace s9  }
0x27: {  	s1 =	sld [smem:$0x3FAD]  }
0x28: {  	s2 =	sld [smem:$0x3FAE]  }
0x29: {  	s4 =	sld [smem:$0x3FB0]  }
0x2a: {  	p0 =	seq.s32 s5, $0x0;
	s5 =	sld [smem:$0x3FB1]  }
0x2b: {  	s6 =	sld [smem:$0x3FB2]  }
0x2c: {  	s7 =	sld [smem:$0x3FB3]  }
0x2d: {  	s3 =	simm.s32 $0x108;
	s8 =	sld [smem:$0x3FB4]  }
0x2e: {  	s3 =	simm.s32 @!p0 $0x1082;
	s9 =	sld [smem:$0x3FB5]  }
0x2f: {  	lr =	sadd.s32 s0, s3;
	s0 =	sld [smem:$0x3FAC]  }
0x30: {  	s3 =	sld [smem:$0x3FAF]  }
0x31: {  	[smem:$0x3FB8] =	sst s10  }
0x32: {  	s10 =	sld [smem:$0x3FB6];
	_ =	sdelay $0x3  }
0x33: {  	p0 =	seq.s32 s10, $0x1;
	s10 =	sld [smem:$0x3FB8];
	_ =	sdelay $0x3  }
0x34: {  	[smem:$0x3FB8] =	sst s10  }
0x35: {  	s10 =	sld [smem:$0x3FB7];
	_ =	sdelay $0x3  }
0x36: {  	p1 =	seq.s32 s10, $0x1;
	s10 =	sld [smem:$0x3FB8];
	_ =	sdelay $0x3  }
0x37: {  	[smem:$0x3FB8] =	sst s10  }
0x38: {  	s10 =	sld [smem:$0x3FB9]  }
0x39: {  	_ = 	snop;
	(pc) =	sbr.ind lr, $3  }
0x3a: {  	_ = 	snop  }
0x3b: {  	_ = 	snop  }
0x3c: {  	p2 =	seq.s32 s10, $0x1;
	s10 =	sld [smem:$0x3FB8]  }
0x3d: {  	_ =	shalt  }
0x3e: {  	_ =	shalt  }
0x3f: {  	_ =	shalt  }
0x40: {  	_ =	shalt  }
0x41: {  	_ =	shalt  }
0x42: {  	_ =	shalt  }
0x43: {  	_ =	shalt  }
0x44: {  	_ =	shalt  }
0x45: {  	_ =	shalt  }
0x46: {  	_ =	shalt  }
0x47: {  	_ =	shalt  }
0x48: {  	_ =	shalt  }
0x49: {  	_ =	shalt  }
0x4a: {  	_ =	shalt  }
0x4b: {  	_ =	shalt  }
0x4c: {  	_ =	shalt  }
0x4d: {  	_ =	shalt  }
0x4e: {  	_ =	shalt  }
0x4f: {  	_ =	shalt  }
0x50: {  	_ =	shalt  }
0x51: {  	_ =	shalt  }
0x52: {  	_ =	shalt  }
0x53: {  	_ =	shalt  }
0x54: {  	_ =	shalt  }
0x55: {  	_ =	shalt  }
0x56: {  	_ =	shalt  }
0x57: {  	_ =	shalt  }
0x58: {  	_ =	shalt  }
0x59: {  	_ =	shalt  }
0x5a: {  	_ =	shalt  }
0x5b: {  	_ =	shalt  }
0x5c: {  	_ =	shalt  }
0x5d: {  	_ =	shalt  }
0x5e: {  	_ =	shalt  }
0x5f: {  	_ =	shalt  }
0x60: {  	_ =	shalt  }
0x61: {  	_ =	shalt  }
0x62: {  	_ =	shalt  }
0x63: {  	_ =	shalt  }
0x64: {  	_ =	shalt  }
0x65: {  	_ =	shalt  }
0x66: {  	_ =	shalt  }
0x67: {  	_ =	shalt  }
0x68: {  	_ =	shalt  }
0x69: {  	_ =	shalt  }
0x6a: {  	_ =	shalt  }
0x6b: {  	_ =	shalt  }
0x6c: {  	_ =	shalt  }
0x6d: {  	_ =	shalt  }
0x6e: {  	_ =	shalt  }
0x6f: {  	_ =	shalt  }
0x70: {  	_ =	shalt  }
0x71: {  	_ =	shalt  }
0x72: {  	_ =	shalt  }
0x73: {  	_ =	shalt  }
0x74: {  	_ =	shalt  }
0x75: {  	_ =	shalt  }
0x76: {  	_ =	shalt  }
0x77: {  	_ =	shalt  }
0x78: {  	_ =	shalt  }
0x79: {  	_ =	shalt  }
0x7a: {  	_ =	shalt  }
0x7b: {  	_ =	shalt  }
0x7c: {  	_ =	shalt  }
0x7d: {  	_ =	shalt  }
0x7e: {  	_ =	shalt  }
0x7f: {  	_ =	shalt  }
0x80: {  	_ =	shalt  }
0x81: {  	_ =	shalt  }
0x82: {  	_ =	shalt  }
0x83: {  	_ =	shalt  }
0x84: {  	_ =	shalt  }
0x85: {  	_ =	shalt  }
0x86: {  	_ =	shalt  }
0x87: {  	_ =	shalt  }
.Lfunc_end0:
.L_simem_size_0:
called_computation_lowered:
.L_overlay_start_0:
0x88: {  	s2 =	sld [smem:$0x3FD9]  }
0x89: {  	s3 =	sld [smem:$0x3FFE];
	_ =	sdelay $0x1  }
0x8a: {  	s1 =	srdreg.scid  }
0x8b: {  	s0 =	sand.u32 $0x1, s1  }
0x8c: {  	s14 =	sshll.u32 s0, $0xA;
	s2 =	sadd.s32 s3, s2  }
0x8d: {  	s2 =	sadd.s32 s2, s14  }
0x8e: {  	[smem:$0x3FC4] =	sst s2  }
0x8f: {  	_ = 	snop  }
0x90: {  	s2 =	sld [smem:$0x3FD0];
	_ =	sdelay $0x2  }
0x91: {  	s4 =	simm.s32 $0xA;
	s5 =	simm.s32 $0x10;
	s15 =	sld [smem:$0x3FC9]  }
0x92: {  	[smem:s5], [sflag:s4] =	dma.local [hbm:s2], $0x1  }
0x93: {  	_ =	swait.eq [sflag:s4], $0x1  }
0x94: {  	[sflag:s4] =	ssyncset.done $0x0  }
0x95: {  	[sflag:s4] =	ssyncadd.s32 $0xFFFFFFFF  }
0x96: {  	s16 =	sld [smem:$0x10];
	(tm) =	ssettm $0x1  }
0x97: {  	s17 =	sld [smem:$0x3FFB];
	_ =	sdelay $0x3  }
0x98: {  	_ =	strace s17  }
0x99: {  	s4 =	sld [smem:$0x3FFC];
	_ =	sdelay $0x3  }
0x9a: {  	_ =	strace s4  }
0x9b: {  	s4 =	sld [smem:$0x3FFD];
	_ =	sdelay $0x3  }
0x9c: {  	_ =	strace s4  }
0x9d: {  	_ =	strace $0x8FFFFFFF  }
0x9e: {  	s18 =	sld [smem:$0x3FDB];
	_ =	sdelay $0x1  }
0x9f: {  	s19 =	simm.s32 $_scs_section_size  }
0xa0: {  	s6 =	simm.s32 $_size__tile_overlayer_lowered;
	s7 =	simm.s32 $_tile_overlayer_lowered  }
0xa1: {  	s22 =	simm.s32 $0x1BFF;
	s21 =	sshll.u32 s7, $0x1;
	s4 =	sadd.s32 s19, s18  }
0xa2: {  	s8 =	simm.s32 $0x0;
	s20 =	sshll.u32 s6, $0x1;
	s6 =	sadd.s32 s21, s4  }
0xa3: {  	[timem:s8], [sflag:s22] =	dma.local [hbm:s6], s20  }
0xa4: {  	_ =	swait.ge [sflag:s22], s20  }
0xa5: {  	s5 =	ssub.s32 $0x0, s20;
	[sflag:s22] =	ssyncset.done $0x0  }
0xa6: {  	[sflag:s22] =	ssyncadd.s32 s5;
	_ =	sdelay $0x1  }
0xa7: {  	s23 =	simm.s32 $0x1B8B  }
0xa8: {  	_ =	swait.ge [sflag:s23], $0x1  }
0xa9: {  	[sflag:s23] =	ssyncset.done $0x0  }
0xaa: {  	s25 =	simm.s32 $0x1B8E;
	s24 =	sld [smem:$0x3FFE];
	[sflag:s23] =	ssyncadd.s32 $0xFFFFFFFF  }
0xab: {  	s26 =	simm.s32 $execute0_lowered;
	[smem:$0x3FD2] =	sst s25  }
0xac: {  	s6 =	sshll.u32 s26, $0x1;
	_ =	strace $0x80000046;
	[dreg:$0x1] =	wrdreg $0xFFFFFFFF  }
0xad: {  	s28 =	simm.s32 $_size_execute0_lowered;
	s4 =	sadd.s32 s4, s6;
	[dreg:$0x0] =	wrdreg $0x0  }
0xae: {  	s6 =	sshll.u32 s28, $0x1;
	[dreg:$0x2] =	wrdreg s4  }
0xaf: {  	[dreg:$0x3] =	wrdreg s6  }
0xb0: {  	[dreg:$0x4] =	wrdreg $0xC0  }
0xb1: {  	_ =	task [dreg:s8], $0x5FFFF  }
0xb2: {  	[dreg:$0x1] =	wrdreg $0xFFFFFFFF  }
0xb3: {  	[dreg:$0x0] =	wrdreg $0x60  }
0xb4: {  	[dreg:$0x2] =	wrdreg s15  }
0xb5: {  	[dreg:$0x3] =	wrdreg s24  }
0xb6: {  	[dreg:$0x4] =	wrdreg s16  }
0xb7: {  	[dreg:$0x5] =	wrdreg $0xD0000  }
0xb8: {  	[dreg:$0x6] =	wrdreg $0x9  }
0xb9: {  	_ =	task.clear_ibuf [dreg:s8], $0x7FFFF;
	_ =	strace $0x90000046  }
0xba: {  	s29 =	simm.s32 $0x9;
	_ =	strace $0x80000048  }
0xbb: {  	_ =	swait.ge [sflag:s29], $0x1  }
0xbc: {  	[sflag:s29] =	ssyncadd.s32 $0xFFFFFFFF  }
0xbd: {  	_ =	strace $0x90000048  }
0xbe: {  	_ =	sfence  }
0xbf: {  	s30 =	sld [smem:$0x0];
	_ =	sdelay $0x2  }
0xc0: {  	s31 =	sshll.u32 s1, $0xD;
	s1 =	sshrl.u32 s1, $0x2  }
0xc1: {  	s3 =	sand.u32 $0x4000, s31;
	s1 =	sadd.s32 s1, s30  }
0xc2: {  	s0 =	sor.u32 s3, s0;
	s1 =	sshll.u32 s1, $0x11  }
0xc3: {  	s0 =	sor.u32 s1, s0  }
0xc4: {  	s0 =	sadd.s32 $0x8F2B, s0  }
0xc5: {  	[sflag:s0] =	ssyncadd.remote.s32 $0x1  }
0xc6: {  	_ =	sfence.sel $0xFFFF  }
0xc7: {  	[dreg:$0x0] =	wrdreg $0xFFFFFFFF;
	(pc) =	sbr.abs _section_cstart, $3  }
0xc8: {  	[dreg:$0x1] =	wrdreg $0xFFFFFFFF  }
0xc9: {  	_ =	task.clear_ibuf [dreg:s8], $0x2FFFF;
	_ =	strace $0x9FFFFFFF  }
0xca: {  	(tm) =	ssettm $0x7FFFFFFF  }
0xcb: {  	_ =	shalt  }
tec
execute0_lowered:
.L_overlay_start_1:
0x0: {  	(tag) =	ssettag $0x1  }
0x1: {  	s1 =	rddreg [dreg:$0x0]  }
0x2: {  	s0 =	rddreg [dreg:$0x1]  }
0x3: {  	s2 =	rddreg [dreg:$0x2]  }
0x4: {  	s3 =	rddreg [dreg:$0x3]  }
0x5: {  	s4 =	simm.s32 $0x0;
	s5 =	srdreg.scid;
	s15 =	stileid.u32  }
0x6: {  	s28 =	simm.s32 $0x1;
	s29 =	simm.s32 $0x6000;
	s30 =	simm.s32 $0x7000  }
0x7: {  	s31 =	simm.s32 $0x8000;
	s16 =	simm.s32 $0x0;
	[smem:$0x7FF] =	sst s4  }
0x8: {  	s6 =	sadd.s32 $0x41200, s0;
	s7 =	sadd.s32 $0x21200, s0;
	s5 =	sand.u32 $0x1, s5  }
0x9: {  	s8 =	sadd.s32 $0x1200, s0;
	s10 =	sshll.u32 s15, $0xD;
	s9 =	sadd.s32 $0x61200, s0  }
0xa: {  	s12 =	sshll.u32 s15, $0x10;
	s14 =	sshll.u32 s15, $0xF;
	s21 =	sshll.u32 s15, $0x6  }
0xb: {  	_ =	strace $0x80000047;
	s11 =	ssub.s32 $0x2, s5;
	s0 =	sadd.s32 s10, s0  }
0xc: {  	s13 =	sshll.u32 s5, $0x13;
	s18 =	sadd.s32 s12, s3;
	s15 =	sor.u32 $0x1C05, s21  }
0xd: {  	p0 =	seq.s32 s5, $0x1;
	s5 =	simm.s32 $0x10D600;
	s21 =	simm.s32 $0x0  }
0xe: {  	s17 =	sshrl.u32 s11, $0x1;
	[dreg:$0x5] =	wrdreg s18;
	s19 =	sor.u32 s14, s13  }
0xf: {  	s20 =	sadd.s32 $0xCD600, s0;
	s5 =	simm.s32 @!p0 $0xED600;
	[dreg:$0x7] =	wrdreg s15  }
0x10: {  	s10 =	ssub.s32 s11, s17;
	[dreg:$0x6] =	wrdreg s20;
	s13 =	sshrl.u32 s19, $0x3  }
0x11: {  	s17 =	sor.u32 $0x1000, s19;
	s18 =	sadd.s32 $0xFFFFF000, s19;
	s0 =	sadd.s32 s5, s0  }
0x12: {  	s19 =	sor.u32 $0x2000, s19;
	s22 =	sadd.s32 s1, s13;
	[dreg:$0xe] =	wrdreg s0  }
0x13: {  	s20 =	simm.s32 $0x5;
	s23 =	sadd.s32 s6, s13;
	[dreg:$0x8] =	wrdreg s22  }
0x14: {  	s5 =	simm.s32 $0x4000;
	s24 =	sadd.s32 s7, s13;
	[dreg:$0x9] =	wrdreg s23  }
0x15: {  	s25 =	sadd.s32 s8, s13;
	s26 =	sadd.s32 s13, s2;
	[dreg:$0xa] =	wrdreg s24  }
0x16: {  	s10 =	smax.u32 s10, $0x1;
	s0 =	simm.s32 $0x9000;
	[dreg:$0xb] =	wrdreg s25  }
0x17: {  	s13 =	simm.s32 $0xB000;
	s11 =	sadd.s32 $0xE00, s26;
	[dreg:$0xd] =	wrdreg s10  }
0x18: {  	s24 =	simm.s32 $0x1000;
	s25 =	simm.s32 $0x5000;
	s26 =	simm.s32 $0x2  }
0x19: {  	v0 =	vimm.s32 $0x1;
	s10 =	simm.s32 $0xC000;
	[dreg:$0xc] =	wrdreg s11;
	s11 =	simm.s32 $0xA000  }
.LBB2_1:
0x1a: {  	s12 =	simm.s32 $0x40;
	s14 =	simm.s32 $0x0  }
.LBB2_2:
0x1b: {  	p0 =	sne.s32 s12, $0x3FC0;
	[tilespmem:s14+$0xC000] =	vst v0;
	s14 =	smov.u32 s12;
	s12 =	sadd.s32 $0x40, s12  }
.Ltmp0:
0x1c: {  	(pc) =	sbr.rel @p0 .LBB2_2-.Ltmp0, $2  }
0x1d: {  	_ =	sdelay $0x2  }
0x1e: {  	s14 =	sshra.s32 s14, $0x2  }
0x1f: {  	s12 =	rddreg [dreg:$0x5]  }
0x20: {  	s22 =	rddreg [dreg:$0x6];
	s12 =	sshrl.u32 s12, $0x3  }
0x21: {  	[tilespmem:s14+$0xC000] =	vst v0;
	[dreg:$0xf] =	wrdreg s12  }
0x22: {  	[spmem:s12], [sflag:s15] =	dma.local [hbm:s22], $0x2000  }
0x23: {  	_ =	swait.ge [sflag:s20], $0x2000  }
0x24: {  	[sflag:s20] =	ssyncset.done $0x0  }
0x25: {  	[sflag:s20] =	ssyncadd.s32 $0xFFFFE000  }
0x26: {  	[bflag:$0x0] =	sbarrier.arrive $0xFFFF  }
0x27: {  	s23 =	rddreg [dreg:$0x8]  }
0x28: {  	[tilespmem:s21], [sflag:$0x1] =	stream.linear.gather [hbm4b:s23+s21], $0x1000, $0x38;
	[tilespmem:$0x1D000] =	vst v63  }
0x29: {  	s14 =	rddreg [dreg:$0x9]  }
0x2a: {  	[tilespmem:s24], [sflag:$0x1] =	stream.linear.gather [hbm4b:s14+s21], $0x1000, $0x38;
	[tilespmem:$0x1D000] =	vst v63  }
0x2b: {  	s20 =	simm.s32 $0x2000;
	s15 =	rddreg [dreg:$0xa]  }
0x2c: {  	[tilespmem:s20], [sflag:$0x1] =	stream.linear.gather [hbm4b:s15+s21], $0x1000, $0x38;
	[tilespmem:$0x1D000] =	vst v63  }
0x2d: {  	s22 =	rddreg [dreg:$0xb];
	s23 =	simm.s32 $0x3000  }
0x2e: {  	[tilespmem:s23], [sflag:$0x1] =	stream.linear.gather [hbm4b:s22+s21], $0x1000, $0x38;
	[tilespmem:$0x1D000] =	vst v63  }
0x2f: {  	s22 =	simm.s32 $0x0  }
.LBB2_4:
0x30: {  	_ =	swait.ge [sflag:s28], $0x1000  }
0x31: {  	[sflag:s28] =	ssyncset.done $0x0  }
0x32: {  	[sflag:s28] =	ssyncadd.s32 $0xFFFFF000  }
0x33: {  	_ =	swait.ge [sflag:s28], $0x1000  }
0x34: {  	[sflag:s28] =	ssyncset.done $0x0  }
0x35: {  	[sflag:s28] =	ssyncadd.s32 $0xFFFFF000  }
0x36: {  	_ =	swait.ge [sflag:s28], $0x1000  }
0x37: {  	[sflag:s28] =	ssyncset.done $0x0  }
0x38: {  	s23 =	sshll.u32 s22, $0xD;
	[sflag:s28] =	ssyncadd.s32 $0xFFFFF000  }
0x39: {  	s12 =	sadd.s32 s17, s23;
	_ =	swait.ge [sflag:s28], $0x1000  }
0x3a: {  	s14 =	sshrl.u32 s12, $0x3;
	[sflag:s28] =	ssyncset.done $0x0  }
0x3b: {  	s15 =	sadd.s32 s1, s14;
	[sflag:s28] =	ssyncadd.s32 $0xFFFFF000  }
0x3c: {  	[tilespmem:s29], [sflag:$0x1] =	stream.linear.gather [hbm4b:s15+s21], $0x1000, $0x38;
	[tilespmem:$0x1D000] =	vst v63  }
0x3d: {  	s20 =	sadd.s32 s6, s14  }
0x3e: {  	[tilespmem:s30], [sflag:$0x1] =	stream.linear.gather [hbm4b:s20+s21], $0x1000, $0x38;
	[tilespmem:$0x1D000] =	vst v63  }
0x3f: {  	s20 =	sadd.s32 s7, s14  }
0x40: {  	[tilespmem:s31], [sflag:$0x1] =	stream.linear.gather [hbm4b:s20+s21], $0x1000, $0x38;
	[tilespmem:$0x1D000] =	vst v63  }
0x41: {  	s14 =	sadd.s32 s8, s14  }
0x42: {  	[tilespmem:s0], [sflag:$0x1] =	stream.linear.gather [hbm4b:s14+s21], $0x1000, $0x38;
	[tilespmem:$0x1D000] =	vst v63  }
0x43: {  	s14 =	simm.s32 $0x0  }
0x44: {  	v1 =	vld [tilespmem:s14+$0x0]  }
0x45: {  	v2 =	vld [tilespmem:s14+$0x1000]  }
0x46: {  	v3 =	vld [tilespmem:s14+$0x2000];
	_ =	sdelay $0x3  }
0x47: {  	s15 =	simm.s32 $0x10;
	v4 =	vld [tilespmem:s14+$0x3000];
	v5 =	vmul.u32 $0x1B0829, v1;
	v2 =	vmul.u32 $0x3931, v2  }
0x48: {  	v3 =	vmul.u32 $0x79, v3;
	v1 =	vld [tilespmem:s15+$0x0]  }
0x49: {  	v5 =	vadd.s32 v5, v2;
	v2 =	vld [tilespmem:s15+$0x1000]  }
0x4a: {  	v5 =	vadd.s32 v3, v5;
	v3 =	vld [tilespmem:s15+$0x2000];
	_ =	sdelay $0x1  }
0x4b: {  	s20 =	simm.s32 $0x80;
	v4 =	vadd.s32 v4, v5  }
.LBB2_5:
0x4c: {  	v5 =	vld [tilespmem:s15+$0x3000];
	[tilespmem:s14+$0x4000] =	vst v4;
	s14 =	smov.u32 s15;
	s15 =	sshra.s32 s20, $0x2;
	p0 =	sne.s32 s20, $0x3FC0  }
.Ltmp1:
0x4d: {  	s20 =	sadd.s32 $0x40, s20;
	v4 =	vmul.u32 $0x1B0829, v1;
	v1 =	vld [tilespmem:s15+$0x0];
	v6 =	vmul.u32 $0x3931, v2;
	(pc) =	sbr.rel @p0 .LBB2_5-.Ltmp1, $4  }
0x4e: {  	v2 =	vld [tilespmem:s15+$0x1000];
	v7 =	vmul.u32 $0x79, v3  }
0x4f: {  	v3 =	vld [tilespmem:s15+$0x2000];
	v4 =	vadd.s32 v4, v6  }
0x50: {  	v4 =	vadd.s32 v7, v4  }
0x51: {  	v4 =	vadd.s32 v5, v4  }
0x52: {  	v5 =	vld [tilespmem:s15+$0x3000]  }
0x53: {  	v1 =	vmul.u32 $0x1B0829, v1;
	v2 =	vmul.u32 $0x3931, v2  }
0x54: {  	v3 =	vmul.u32 $0x79, v3  }
0x55: {  	v1 =	vadd.s32 v1, v2  }
0x56: {  	v1 =	vadd.s32 v3, v1  }
0x57: {  	[tilespmem:s14+$0x4000] =	vst v4;
	p0 =	seq.s32 s22, $0x0;
	v1 =	vadd.s32 v5, v1  }
0x58: {  	s14 =	simm.s32 @!p0 $0x2;
	[tilespmem:s15+$0x4000] =	vst v1  }
0x59: {  	_ =	swait.ge @!p0 [sflag:s14], $0x1000  }
0x5a: {  	s20 =	simm.s32 @!p0 $0xC000;
	[sflag:s14] =	ssyncset.done @!p0 $0x0  }
0x5b: {  	s15 =	simm.s32 @!p0 $0xB000;
	[sflag:s14] =	ssyncadd.s32 @!p0 $0xFFFFF000;
	s14 =	simm.s32 @!p0 $0x1000  }
0x5c: {  	[spmem:s3] =	stream.indirect.scatter.add.s32 @!p0 [tilespmem:s20], [sflag:$0x3], $0x1, s15, s14, $0xb8;
	[tilespmem:$0x1D000] =	vst v63  }
0x5d: {  	s14 =	sadd.s32 @!p0 s23, s18  }
0x5e: {  	s14 =	sshrl.u32 @!p0 s14, $0x3  }
0x5f: {  	s20 =	simm.s32 @!p0 $0x0;
	s14 =	sadd.s32 @!p0 s2, s14  }
0x60: {  	[hbm4b:s14+s20] =	stream.linear.scatter @!p0 [tilespmem:s15], [sflag:$0x4], $0x1000, $0x38;
	[tilespmem:$0x1D000] =	vst v63  }
0x61: {  	s14 =	simm.s32 @!p0 $0x3  }
0x62: {  	_ =	swait.ge @!p0 [sflag:s14], $0x1000  }
0x63: {  	[sflag:s14] =	ssyncset.done @!p0 $0x0  }
0x64: {  	[sflag:s14] =	ssyncadd.s32 @!p0 $0xFFFFF000;
	s14 =	simm.s32 @!p0 $0x4  }
0x65: {  	_ =	swait.ge @!p0 [sflag:s14], $0x1000  }
0x66: {  	[sflag:s14] =	ssyncset.done @!p0 $0x0  }
0x67: {  	[sflag:s14] =	ssyncadd.s32 @!p0 $0xFFFFF000  }
0x68: {  	[tilespmem:s25], [sflag:$0x2] =	stream.indirect.gather [hbm4b:s9+s24], $0x1, s5, s24, $0xb8;
	[tilespmem:$0x1D000] =	vst v63  }
0x69: {  	_ =	swait.ge [sflag:s28], $0x1000  }
0x6a: {  	[sflag:s28] =	ssyncset.done $0x0  }
0x6b: {  	[sflag:s28] =	ssyncadd.s32 $0xFFFFF000  }
0x6c: {  	_ =	swait.ge [sflag:s28], $0x1000  }
0x6d: {  	[sflag:s28] =	ssyncset.done $0x0  }
0x6e: {  	[sflag:s28] =	ssyncadd.s32 $0xFFFFF000  }
0x6f: {  	_ =	swait.ge [sflag:s28], $0x1000  }
0x70: {  	[sflag:s28] =	ssyncset.done $0x0  }
0x71: {  	p1 =	seq.s32 s22, $0x3;
	[sflag:s28] =	ssyncadd.s32 $0xFFFFF000  }
0x72: {  	s14 =	sadd.s32 @!p1 s23, s19;
	_ =	swait.ge [sflag:s28], $0x1000  }
0x73: {  	s14 =	sshrl.u32 @!p1 s14, $0x3;
	[sflag:s28] =	ssyncset.done $0x0  }
0x74: {  	s20 =	simm.s32 @!p1 $0x0;
	s15 =	sadd.s32 @!p1 s1, s14;
	[sflag:s28] =	ssyncadd.s32 $0xFFFFF000  }
0x75: {  	[tilespmem:s20], [sflag:$0x1] =	stream.linear.gather @!p1 [hbm4b:s15+s20], $0x1000, $0x38;
	[tilespmem:$0x1D000] =	vst v63  }
0x76: {  	s23 =	simm.s32 @!p1 $0x1000;
	s15 =	sadd.s32 @!p1 s6, s14  }
0x77: {  	[tilespmem:s23], [sflag:$0x1] =	stream.linear.gather @!p1 [hbm4b:s15+s20], $0x1000, $0x38;
	[tilespmem:$0x1D000] =	vst v63  }
0x78: {  	s15 =	sadd.s32 @!p1 s7, s14;
	s23 =	simm.s32 @!p1 $0x2000  }
0x79: {  	[tilespmem:s23], [sflag:$0x1] =	stream.linear.gather @!p1 [hbm4b:s15+s20], $0x1000, $0x38;
	[tilespmem:$0x1D000] =	vst v63  }
0x7a: {  	s14 =	sadd.s32 @!p1 s8, s14;
	s15 =	simm.s32 @!p1 $0x3000  }
0x7b: {  	[tilespmem:s15], [sflag:$0x1] =	stream.linear.gather @!p1 [hbm4b:s14+s20], $0x1000, $0x38;
	[tilespmem:$0x1D000] =	vst v63  }
0x7c: {  	s14 =	simm.s32 $0x0  }
0x7d: {  	v1 =	vld [tilespmem:s14+$0x6000]  }
0x7e: {  	v2 =	vld [tilespmem:s14+$0x7000]  }
0x7f: {  	v3 =	vld [tilespmem:s14+$0x8000];
	_ =	sdelay $0x3  }
0x80: {  	s15 =	simm.s32 $0x10;
	v4 =	vld [tilespmem:s14+$0x9000];
	v5 =	vmul.u32 $0x1B0829, v1;
	v2 =	vmul.u32 $0x3931, v2  }
0x81: {  	v3 =	vmul.u32 $0x79, v3;
	v1 =	vld [tilespmem:s15+$0x6000]  }
0x82: {  	v5 =	vadd.s32 v5, v2;
	v2 =	vld [tilespmem:s15+$0x7000]  }
0x83: {  	v5 =	vadd.s32 v3, v5;
	v3 =	vld [tilespmem:s15+$0x8000];
	_ =	sdelay $0x1  }
0x84: {  	s20 =	simm.s32 $0x80;
	v4 =	vadd.s32 v4, v5  }
.LBB2_7:
0x85: {  	v5 =	vld [tilespmem:s15+$0x9000];
	[tilespmem:s14+$0xA000] =	vst v4;
	s14 =	smov.u32 s15;
	s15 =	sshra.s32 s20, $0x2;
	p1 =	sne.s32 s20, $0x3FC0  }
.Ltmp2:
0x86: {  	s20 =	sadd.s32 $0x40, s20;
	v4 =	vmul.u32 $0x1B0829, v1;
	v1 =	vld [tilespmem:s15+$0x6000];
	v6 =	vmul.u32 $0x3931, v2;
	(pc) =	sbr.rel @p1 .LBB2_7-.Ltmp2, $4  }
0x87: {  	v2 =	vld [tilespmem:s15+$0x7000];
	v7 =	vmul.u32 $0x79, v3  }
0x88: {  	v3 =	vld [tilespmem:s15+$0x8000];
	v4 =	vadd.s32 v4, v6  }
0x89: {  	v4 =	vadd.s32 v7, v4  }
0x8a: {  	v4 =	vadd.s32 v5, v4  }
0x8b: {  	v5 =	vld [tilespmem:s15+$0x9000]  }
0x8c: {  	v1 =	vmul.u32 $0x1B0829, v1;
	v2 =	vmul.u32 $0x3931, v2  }
0x8d: {  	v3 =	vmul.u32 $0x79, v3  }
0x8e: {  	v1 =	vadd.s32 v1, v2  }
0x8f: {  	v1 =	vadd.s32 v3, v1  }
0x90: {  	[tilespmem:s14+$0xA000] =	vst v4;
	v1 =	vadd.s32 v5, v1  }
0x91: {  	[tilespmem:s15+$0xA000] =	vst v1  }
0x92: {  	_ =	swait.ge [sflag:s26], $0x1000  }
0x93: {  	s12 =	sadd.s32 $0xFFFFF000, s12;
	[sflag:s26] =	ssyncset.done $0x0  }
0x94: {  	s12 =	sshrl.u32 s12, $0x3;
	[sflag:s26] =	ssyncadd.s32 $0xFFFFF000  }
0x95: {  	[spmem:s3] =	stream.indirect.scatter.add.s32 [tilespmem:s10], [sflag:$0x3], $0x1, s25, s24, $0xb8;
	[tilespmem:$0x1D000] =	vst v63  }
0x96: {  	s12 =	sadd.s32 s2, s12  }
0x97: {  	[hbm4b:s12+s4] =	stream.linear.scatter [tilespmem:s25], [sflag:$0x4], $0x1000, $0x38;
	[tilespmem:$0x1D000] =	vst v63  }
0x98: {  	s12 =	simm.s32 @!p0 $0x3  }
0x99: {  	_ =	swait.ge @!p0 [sflag:s12], $0x1000  }
0x9a: {  	[sflag:s12] =	ssyncset.done @!p0 $0x0  }
0x9b: {  	[sflag:s12] =	ssyncadd.s32 @!p0 $0xFFFFF000;
	s12 =	simm.s32 @!p0 $0x4  }
0x9c: {  	_ =	swait.ge @!p0 [sflag:s12], $0x1000  }
0x9d: {  	s22 =	sadd.s32 $0x1, s22;
	[sflag:s12] =	ssyncset.done @!p0 $0x0  }
0x9e: {  	[sflag:s12] =	ssyncadd.s32 @!p0 $0xFFFFF000;
	p0 =	sne.s32 s22, $0x4  }
.Ltmp3:
0x9f: {  	_ = 	snop;
	(pc) =	sbr.rel @p0 .LBB2_4-.Ltmp3, $2  }
0xa0: {  	_ =	sdelay $0x2  }
0xa1: {  	[tilespmem:s13], [sflag:$0x2] =	stream.indirect.gather [hbm4b:s9+s24], $0x1, s11, s24, $0xb8;
	[tilespmem:$0x1D000] =	vst v63  }
0xa2: {  	_ =	swait.ge [sflag:s26], $0x1000  }
0xa3: {  	[sflag:s26] =	ssyncset.done $0x0  }
0xa4: {  	[sflag:s26] =	ssyncadd.s32 $0xFFFFF000  }
0xa5: {  	[spmem:s3] =	stream.indirect.scatter.add.s32 [tilespmem:s10], [sflag:$0x3], $0x1, s13, s24, $0xb8;
	[tilespmem:$0x1D000] =	vst v63  }
0xa6: {  	s15 =	simm.s32 $0x3;
	s12 =	rddreg [dreg:$0xc]  }
0xa7: {  	[hbm4b:s12+s4] =	stream.linear.scatter [tilespmem:s13], [sflag:$0x4], $0x1000, $0x38;
	[tilespmem:$0x1D000] =	vst v63  }
0xa8: {  	_ =	swait.ge [sflag:s15], $0x1000  }
0xa9: {  	[sflag:s15] =	ssyncset.done $0x0  }
0xaa: {  	s14 =	simm.s32 $0x4;
	[sflag:s15] =	ssyncadd.s32 $0xFFFFF000  }
0xab: {  	_ =	swait.ge [sflag:s14], $0x1000  }
0xac: {  	[sflag:s14] =	ssyncset.done $0x0  }
0xad: {  	[sflag:s14] =	ssyncadd.s32 $0xFFFFF000  }
0xae: {  	_ =	swait.ge [sflag:s15], $0x1000  }
0xaf: {  	[sflag:s15] =	ssyncset.done $0x0  }
0xb0: {  	[sflag:s15] =	ssyncadd.s32 $0xFFFFF000  }
0xb1: {  	_ =	swait.ge [sflag:s14], $0x1000  }
0xb2: {  	[sflag:s14] =	ssyncset.done $0x0  }
0xb3: {  	[sflag:s14] =	ssyncadd.s32 $0xFFFFF000  }
0xb4: {  	[bflag:$0x0] =	sbarrier.arrive $0xFFFF  }
0xb5: {  	s15 =	rddreg [dreg:$0x7]  }
0xb6: {  	s20 =	rddreg [dreg:$0xe]  }
0xb7: {  	s22 =	rddreg [dreg:$0xf]  }
0xb8: {  	[hbm:s20], [sflag:s15] =	dma.local [spmem:s22], $0x2000  }
0xb9: {  	s20 =	simm.s32 $0x5  }
0xba: {  	_ =	swait.ge [sflag:s20], $0x2000  }
0xbb: {  	s16 =	sadd.s32 $0x1, s16;
	s23 =	rddreg [dreg:$0xd]  }
0xbc: {  	p0 =	sne.s32 s16, s23  }
.Ltmp4:
0xbd: {  	_ = 	snop;
	(pc) =	sbr.rel @p0 .LBB2_1-.Ltmp4, $3  }
0xbe: {  	_ =	sdelay $0x1  }
0xbf: {  	[sflag:s20] =	ssyncset.done $0x0  }
0xc0: {  	[sflag:s20] =	ssyncadd.s32 $0xFFFFE000  }
0xc1: {  	_ =	sfence.sel $0x180000  }
0xc2: {  	[bflag:$0x0] =	sbarrier.arrive $0xFFFF  }
0xc3: {  	_ =	strace $0x90000047  }
0xc4: {  	s0 =	stileid.u32;
	[bflag:$0x2] =	sbarrier.arrive $0xFFFF  }
0xc5: {  	p0 =	sne.s32 s0, $0x0;
	s0 =	rddreg [dreg:$0x4]  }
0xc6: {  	s0 =	sadd.s32 @!p0 $0x100000, s0  }
0xc7: {  	[sflag:s0] =	ssyncadd.tile.s32 @!p0 $0x1;
	_ =	shalt  }
.Lfunc_end2:
_tile_overlayer_lowered:
.L_overlay_start_2:
0xc8: {  	(tag) =	ssettag $0x2  }
0xc9: {  	s0 =	rddreg [dreg:$0x0];
	s2 =	stileid.u32  }
0xca: {  	s1 =	rddreg [dreg:$0x1];
	p0 =	sne.s32 s2, $0x0  }
0xcb: {  	s3 =	rddreg [dreg:$0x2];
	[bflag:$0x3] =	sbarrier.arrive $0xFFFF;
	s2 =	simm.s32 @!p0 $0x1C05  }
0xcc: {  	[timem:s3], [sflag:s2] =	dma.local @!p0 [hbm:s0], s1  }
0xcd: {  	s0 =	simm.s32 @!p0 $0x5  }
0xce: {  	_ =	swait.ge @!p0 [sflag:s0], s1  }
0xcf: {  	s1 =	ssub.s32 @!p0 $0x0, s1;
	[sflag:s0] =	ssyncset.done @!p0 $0x0  }
0xd0: {  	[sflag:s0] =	ssyncadd.s32 @!p0 s1  }
0xd1: {  	[bflag:$0x3] =	sbarrier.arrive $0xFFFF  }
0xd2: {  	_ =	shalt  }

</sc_bundles>
